<compile_context>
chip_gen: v7x
topology: tpu7x:2x2x1
jax: 0.10.2.dev20260603
libtpu: 0.0.44.dev20260713+nightly
codegen_flags: <defaults>
</compile_context>

<pallas_src>
import functools

import jax
import jax.numpy as jnp
from jax import lax
from jax.experimental import pallas as pl
from jax.experimental.pallas import tpu as pltpu
from jax.experimental.pallas import tpu_sc as plsc

_NC = 2
_NS = 16
_NW = _NC * _NS


def _gather_transposed(table, x_t):
    v, d = table.shape
    h_len, batch = x_t.shape
    bpw = batch // _NW
    mesh = plsc.VectorSubcoreMesh(core_axis_name="c", subcore_axis_name="s")

    @functools.partial(
        pl.kernel,
        out_type=jax.ShapeDtypeStruct((h_len, d, batch), table.dtype),
        mesh=mesh,
        scratch_types=[
            pltpu.VMEM((2, bpw), jnp.int32),
            pltpu.VMEM((2, bpw, d), jnp.float32),
            pltpu.VMEM((2, d, bpw), jnp.float32),
            pltpu.SemaphoreType.DMA,
            pltpu.SemaphoreType.DMA,
            pltpu.SemaphoreType.DMA,
        ],
        compiler_params=pltpu.CompilerParams(
            use_tc_tiling_on_sc=False, needs_layout_passes=False,
            disable_bounds_checks=True),
    )
    def k(table_hbm, xt_hbm, out_hbm, idx_v, rows_v, trows_v, isem, gsem, osem):
        wid = lax.axis_index("s") * _NC + lax.axis_index("c")
        bbase = wid * bpw

        def idx_copy(h, slot):
            return pltpu.make_async_copy(
                xt_hbm.at[h, pl.ds(bbase, bpw)], idx_v.at[slot], isem)

        def gather_copy(slot):
            return pltpu.make_async_copy(
                table_hbm.at[idx_v.at[slot]], rows_v.at[slot], gsem)

        def out_copy(h, slot):
            return pltpu.make_async_copy(
                trows_v.at[slot], out_hbm.at[h, pl.ds(0, d), pl.ds(bbase, bpw)],
                osem)

        iota = lax.iota(jnp.int32, 16)
        dconsts = [jnp.full((16,), dd, jnp.int32) for dd in range(d)]

        idx_copy(0, 0).start()
        idx_copy(0, 0).wait()
        gather_copy(0).start()
        idx_copy(1, 1).start()

        def body(h, carry):
            cur = lax.rem(h, 2)
            nxt = 1 - cur
            gather_copy(cur).wait()

            @pl.when(h < h_len - 1)
            def _():
                idx_copy(h + 1, nxt).wait()
                gather_copy(nxt).start()

            @pl.when(h < h_len - 2)
            def _():
                idx_copy(h + 2, cur).start()

            @pl.when(h >= 2)
            def _():
                out_copy(h - 2, cur).wait()

            rows = rows_v.at[cur]
            trows = trows_v.at[cur]

            @plsc.parallel_loop(0, bpw // 16, unroll=4)
            def tloop(g):
                riv = g * 16 + iota
                for dd in range(d):
                    col = plsc.load_gather(rows, [riv, dconsts[dd]])
                    trows[dd, pl.ds(g * 16, 16)] = col
            out_copy(h, cur).start()
            return carry

        lax.fori_loop(0, h_len, body, 0)
        out_copy(h_len - 2, 0).wait()
        out_copy(h_len - 1, 1).wait()

    return k(table, x_t)


def kernel(x, table):
    x_t = x.T.astype(jnp.int32)
    out_t = _gather_transposed(table, x_t)
    return jnp.transpose(out_t, (2, 0, 1))

# --- scband reference (transcript-rebuilt; emitter-appended) ---
"""Pipeline reference for scband-base-embedding-84954453115212 (READ-ONLY COPY).

The authoritative reference and input builder live on the scoring server;
editing this copy changes nothing except your own understanding.
"""

import jax, jax.numpy as jnp
import numpy as np

NUM_EMBEDDINGS = 1000000
EMBEDDING_DIM = 32
BATCH = 16384
HIST_LEN = 50

def setup_inputs(seed: int = 0) -> dict:
    key = jax.random.key(seed)
    k_idx, k_tab = jax.random.split(key)
    x = jax.random.randint(k_idx, (BATCH, HIST_LEN), 0, NUM_EMBEDDINGS, dtype=jnp.int64 if jax.config.jax_enable_x64 else jnp.int32)
    # nnx.Embed default init: variance-scaling-like normal; use normal init for the table
    table = jax.random.normal(k_tab, (NUM_EMBEDDINGS, EMBEDDING_DIM), dtype=jnp.float32)
    return {"x": x, "table": table}

def reference(x, table):
    # BaseEmbedding.__call__: embedding lookup followed by dropout (rate=0.0 -> identity)
    out = jnp.take(table, x, axis=0)
    return out

if __name__ == "__main__":
    import jax
    _d = setup_inputs()
    print(jax.jit(kernel)(*tuple(_d.values())))

</pallas_src>

<mosaic_0001>
#map = affine_map<(d0, d1) -> (0, 0)>
#map1 = affine_map<(d0, d1) -> (0, 0, 0)>
module attributes {stable_mosaic.version = 14 : i64} {
  func.func @k(%arg0: i32, %arg1: i32, %arg2: memref<1000000x32xf32, #tpu.memory_space<hbm>>, %arg3: memref<50x16384xi32, #tpu.memory_space<hbm>>, %arg4: memref<50x32x16384xf32, #tpu.memory_space<hbm>>, %arg5: memref<2x512xi32, #tpu.memory_space<vmem>>, %arg6: memref<2x512x32xf32, #tpu.memory_space<vmem>>, %arg7: memref<2x32x512xf32, #tpu.memory_space<vmem>>, %arg8: memref<!tpu.dma_semaphore, #tpu.memory_space<semaphore_mem>>, %arg9: memref<!tpu.dma_semaphore, #tpu.memory_space<semaphore_mem>>, %arg10: memref<!tpu.dma_semaphore, #tpu.memory_space<semaphore_mem>>) attributes {dimension_semantics = [#tpu.dimension_semantics<core_parallel>, #tpu.dimension_semantics<subcore_parallel>], iteration_bounds = array<i64: 2, 16>, scalar_prefetch = 0 : i64, scratch_operands = 6 : i64, tpu.core_type = #tpu.core_type<sc_vector_subcore>, window_params = [{transform_indices = #map}, {transform_indices = #map}, {transform_indices = #map1}]} {
    %mul3A = arith.constant 2 : i32
    %mul3A_0 = arith.muli %arg1, %mul3A : i32
    %add3A = arith.addi %mul3A_0, %arg0 : i32
    %mul3A_1 = arith.constant 512 : i32
    %mul3A_2 = arith.muli %add3A, %mul3A_1 : i32
    %iota3A = tpu.iota {dimensions = array<i32: 0>} : vector<16xi32>
    %broadcast_in_dim3A = arith.constant 0 : i32
    %broadcast_in_dim3A_3 = vector.broadcast %broadcast_in_dim3A : i32 to vector<16xi32>
    %broadcast_in_dim3A_4 = arith.constant 1 : i32
    %broadcast_in_dim3A_5 = vector.broadcast %broadcast_in_dim3A_4 : i32 to vector<16xi32>
    %broadcast_in_dim3A_6 = arith.constant 2 : i32
    %broadcast_in_dim3A_7 = vector.broadcast %broadcast_in_dim3A_6 : i32 to vector<16xi32>
    %broadcast_in_dim3A_8 = arith.constant 3 : i32
    %broadcast_in_dim3A_9 = vector.broadcast %broadcast_in_dim3A_8 : i32 to vector<16xi32>
    %broadcast_in_dim3A_10 = arith.constant 4 : i32
    %broadcast_in_dim3A_11 = vector.broadcast %broadcast_in_dim3A_10 : i32 to vector<16xi32>
    %broadcast_in_dim3A_12 = arith.constant 5 : i32
    %broadcast_in_dim3A_13 = vector.broadcast %broadcast_in_dim3A_12 : i32 to vector<16xi32>
    %broadcast_in_dim3A_14 = arith.constant 6 : i32
    %broadcast_in_dim3A_15 = vector.broadcast %broadcast_in_dim3A_14 : i32 to vector<16xi32>
    %broadcast_in_dim3A_16 = arith.constant 7 : i32
    %broadcast_in_dim3A_17 = vector.broadcast %broadcast_in_dim3A_16 : i32 to vector<16xi32>
    %broadcast_in_dim3A_18 = arith.constant 8 : i32
    %broadcast_in_dim3A_19 = vector.broadcast %broadcast_in_dim3A_18 : i32 to vector<16xi32>
    %broadcast_in_dim3A_20 = arith.constant 9 : i32
    %broadcast_in_dim3A_21 = vector.broadcast %broadcast_in_dim3A_20 : i32 to vector<16xi32>
    %broadcast_in_dim3A_22 = arith.constant 10 : i32
    %broadcast_in_dim3A_23 = vector.broadcast %broadcast_in_dim3A_22 : i32 to vector<16xi32>
    %broadcast_in_dim3A_24 = arith.constant 11 : i32
    %broadcast_in_dim3A_25 = vector.broadcast %broadcast_in_dim3A_24 : i32 to vector<16xi32>
    %broadcast_in_dim3A_26 = arith.constant 12 : i32
    %broadcast_in_dim3A_27 = vector.broadcast %broadcast_in_dim3A_26 : i32 to vector<16xi32>
    %broadcast_in_dim3A_28 = arith.constant 13 : i32
    %broadcast_in_dim3A_29 = vector.broadcast %broadcast_in_dim3A_28 : i32 to vector<16xi32>
    %broadcast_in_dim3A_30 = arith.constant 14 : i32
    %broadcast_in_dim3A_31 = vector.broadcast %broadcast_in_dim3A_30 : i32 to vector<16xi32>
    %broadcast_in_dim3A_32 = arith.constant 15 : i32
    %broadcast_in_dim3A_33 = vector.broadcast %broadcast_in_dim3A_32 : i32 to vector<16xi32>
    %broadcast_in_dim3A_34 = arith.constant 16 : i32
    %broadcast_in_dim3A_35 = vector.broadcast %broadcast_in_dim3A_34 : i32 to vector<16xi32>
    %broadcast_in_dim3A_36 = arith.constant 17 : i32
    %broadcast_in_dim3A_37 = vector.broadcast %broadcast_in_dim3A_36 : i32 to vector<16xi32>
    %broadcast_in_dim3A_38 = arith.constant 18 : i32
    %broadcast_in_dim3A_39 = vector.broadcast %broadcast_in_dim3A_38 : i32 to vector<16xi32>
    %broadcast_in_dim3A_40 = arith.constant 19 : i32
    %broadcast_in_dim3A_41 = vector.broadcast %broadcast_in_dim3A_40 : i32 to vector<16xi32>
    %broadcast_in_dim3A_42 = arith.constant 20 : i32
    %broadcast_in_dim3A_43 = vector.broadcast %broadcast_in_dim3A_42 : i32 to vector<16xi32>
    %broadcast_in_dim3A_44 = arith.constant 21 : i32
    %broadcast_in_dim3A_45 = vector.broadcast %broadcast_in_dim3A_44 : i32 to vector<16xi32>
    %broadcast_in_dim3A_46 = arith.constant 22 : i32
    %broadcast_in_dim3A_47 = vector.broadcast %broadcast_in_dim3A_46 : i32 to vector<16xi32>
    %broadcast_in_dim3A_48 = arith.constant 23 : i32
    %broadcast_in_dim3A_49 = vector.broadcast %broadcast_in_dim3A_48 : i32 to vector<16xi32>
    %broadcast_in_dim3A_50 = arith.constant 24 : i32
    %broadcast_in_dim3A_51 = vector.broadcast %broadcast_in_dim3A_50 : i32 to vector<16xi32>
    %broadcast_in_dim3A_52 = arith.constant 25 : i32
    %broadcast_in_dim3A_53 = vector.broadcast %broadcast_in_dim3A_52 : i32 to vector<16xi32>
    %broadcast_in_dim3A_54 = arith.constant 26 : i32
    %broadcast_in_dim3A_55 = vector.broadcast %broadcast_in_dim3A_54 : i32 to vector<16xi32>
    %broadcast_in_dim3A_56 = arith.constant 27 : i32
    %broadcast_in_dim3A_57 = vector.broadcast %broadcast_in_dim3A_56 : i32 to vector<16xi32>
    %broadcast_in_dim3A_58 = arith.constant 28 : i32
    %broadcast_in_dim3A_59 = vector.broadcast %broadcast_in_dim3A_58 : i32 to vector<16xi32>
    %broadcast_in_dim3A_60 = arith.constant 29 : i32
    %broadcast_in_dim3A_61 = vector.broadcast %broadcast_in_dim3A_60 : i32 to vector<16xi32>
    %broadcast_in_dim3A_62 = arith.constant 30 : i32
    %broadcast_in_dim3A_63 = vector.broadcast %broadcast_in_dim3A_62 : i32 to vector<16xi32>
    %broadcast_in_dim3A_64 = arith.constant 31 : i32
    %broadcast_in_dim3A_65 = vector.broadcast %broadcast_in_dim3A_64 : i32 to vector<16xi32>
    %dma_start3A = arith.constant 0 : i32
    %dma_start3A_66 = arith.constant 0 : i32
    %dma_start3A_67 = arith.constant 0 : i32
    %dma_start3A_68 = tpu.memref_slice %arg5[%dma_start3A_66, %dma_start3A_67] : memref<2x512xi32, #tpu.memory_space<vmem>> -> memref<1x512xi32, #tpu.memory_space<vmem>>
    %dma_start3A_69 = tpu.memref_squeeze %dma_start3A_68 : memref<1x512xi32, #tpu.memory_space<vmem>> -> memref<512xi32, #tpu.memory_space<vmem>>
    %dma_start3A_70 = tpu.memref_slice %arg3[%dma_start3A, %mul3A_2] : memref<50x16384xi32, #tpu.memory_space<hbm>> -> memref<1x512xi32, #tpu.memory_space<hbm>>
    %dma_start3A_71 = tpu.memref_squeeze %dma_start3A_70 : memref<1x512xi32, #tpu.memory_space<hbm>> -> memref<512xi32, #tpu.memory_space<hbm>>
    %dma_start3A_72 = arith.constant 0 : i32
    %dma_start3A_73 = tpu.memref_slice %arg5[%dma_start3A_66, %dma_start3A_72] : memref<2x512xi32, #tpu.memory_space<vmem>> -> memref<1x512xi32, #tpu.memory_space<vmem>>
    %dma_start3A_74 = tpu.memref_squeeze %dma_start3A_73 : memref<1x512xi32, #tpu.memory_space<vmem>> -> memref<512xi32, #tpu.memory_space<vmem>>
    %dma_start3A_75 = tpu.memref_slice %arg3[%dma_start3A, %mul3A_2] : memref<50x16384xi32, #tpu.memory_space<hbm>> -> memref<1x512xi32, #tpu.memory_space<hbm>>
    %dma_start3A_76 = tpu.memref_squeeze %dma_start3A_75 : memref<1x512xi32, #tpu.memory_space<hbm>> -> memref<512xi32, #tpu.memory_space<hbm>>
    tpu.enqueue_dma source(%dma_start3A_76 : memref<512xi32, #tpu.memory_space<hbm>>) target(%dma_start3A_74 : memref<512xi32, #tpu.memory_space<vmem>>) target_semaphore(%arg8 : memref<!tpu.dma_semaphore, #tpu.memory_space<semaphore_mem>>)
    %dma_wait3A = arith.constant 0 : i32
    %dma_wait3A_77 = arith.constant 0 : i32
    %dma_wait3A_78 = arith.constant 0 : i32
    %dma_wait3A_79 = tpu.memref_slice %arg5[%dma_wait3A_77, %dma_wait3A_78] : memref<2x512xi32, #tpu.memory_space<vmem>> -> memref<1x512xi32, #tpu.memory_space<vmem>>
    %dma_wait3A_80 = tpu.memref_squeeze %dma_wait3A_79 : memref<1x512xi32, #tpu.memory_space<vmem>> -> memref<512xi32, #tpu.memory_space<vmem>>
    %dma_wait3A_81 = tpu.memref_slice %arg3[%dma_wait3A, %mul3A_2] : memref<50x16384xi32, #tpu.memory_space<hbm>> -> memref<1x512xi32, #tpu.memory_space<hbm>>
    %dma_wait3A_82 = tpu.memref_squeeze %dma_wait3A_81 : memref<1x512xi32, #tpu.memory_space<hbm>> -> memref<512xi32, #tpu.memory_space<hbm>>
    %dma_wait3A_83 = arith.constant 0 : i32
    %dma_wait3A_84 = tpu.memref_slice %arg5[%dma_wait3A_77, %dma_wait3A_83] : memref<2x512xi32, #tpu.memory_space<vmem>> -> memref<1x512xi32, #tpu.memory_space<vmem>>
    %dma_wait3A_85 = tpu.memref_squeeze %dma_wait3A_84 : memref<1x512xi32, #tpu.memory_space<vmem>> -> memref<512xi32, #tpu.memory_space<vmem>>
    %dma_wait3A_86 = tpu.memref_slice %arg3[%dma_wait3A, %mul3A_2] : memref<50x16384xi32, #tpu.memory_space<hbm>> -> memref<1x512xi32, #tpu.memory_space<hbm>>
    %dma_wait3A_87 = tpu.memref_squeeze %dma_wait3A_86 : memref<1x512xi32, #tpu.memory_space<hbm>> -> memref<512xi32, #tpu.memory_space<hbm>>
    tpu.wait_dma2 semaphore(%arg8 : memref<!tpu.dma_semaphore, #tpu.memory_space<semaphore_mem>>) src(%dma_wait3A_87 : memref<512xi32, #tpu.memory_space<hbm>>) dst(%dma_wait3A_85 : memref<512xi32, #tpu.memory_space<vmem>>)
    %dma_start3A_88 = arith.constant 0 : i32
    %dma_start3A_89 = arith.constant 0 : i32
    %dma_start3A_90 = arith.constant 0 : i32
    %dma_start3A_91 = arith.constant 0 : i32
    %dma_start3A_92 = tpu.memref_slice %arg6[%dma_start3A_89, %dma_start3A_90, %dma_start3A_91] : memref<2x512x32xf32, #tpu.memory_space<vmem>> -> memref<1x512x32xf32, #tpu.memory_space<vmem>>
    %dma_start3A_93 = tpu.memref_squeeze %dma_start3A_92 : memref<1x512x32xf32, #tpu.memory_space<vmem>> -> memref<512x32xf32, #tpu.memory_space<vmem>>
    %dma_start3A_94 = arith.constant 0 : i32
    %dma_start3A_95 = tpu.memref_slice %arg5[%dma_start3A_88, %dma_start3A_94] : memref<2x512xi32, #tpu.memory_space<vmem>> -> memref<1x512xi32, #tpu.memory_space<vmem>>
    %dma_start3A_96 = tpu.memref_squeeze %dma_start3A_95 : memref<1x512xi32, #tpu.memory_space<vmem>> -> memref<512xi32, #tpu.memory_space<vmem>>
    %dma_start3A_97 = arith.constant 0 : i32
    %dma_start3A_98 = arith.constant 0 : i32
    %dma_start3A_99 = tpu.memref_slice %arg2[%dma_start3A_97, %dma_start3A_98] : memref<1000000x32xf32, #tpu.memory_space<hbm>> -> memref<1000000x32xf32, #tpu.memory_space<hbm>>
    tpu.enqueue_indirect_dma source(%dma_start3A_99 : memref<1000000x32xf32, #tpu.memory_space<hbm>>) target(%dma_start3A_93 : memref<512x32xf32, #tpu.memory_space<vmem>>) offsets(%dma_start3A_96 : memref<512xi32, #tpu.memory_space<vmem>>) semaphore(%arg9 : memref<!tpu.dma_semaphore, #tpu.memory_space<semaphore_mem>>)
    %dma_start3A_100 = arith.constant 1 : i32
    %dma_start3A_101 = arith.constant 1 : i32
    %dma_start3A_102 = arith.constant 0 : i32
    %dma_start3A_103 = tpu.memref_slice %arg5[%dma_start3A_101, %dma_start3A_102] : memref<2x512xi32, #tpu.memory_space<vmem>> -> memref<1x512xi32, #tpu.memory_space<vmem>>
    %dma_start3A_104 = tpu.memref_squeeze %dma_start3A_103 : memref<1x512xi32, #tpu.memory_space<vmem>> -> memref<512xi32, #tpu.memory_space<vmem>>
    %dma_start3A_105 = tpu.memref_slice %arg3[%dma_start3A_100, %mul3A_2] : memref<50x16384xi32, #tpu.memory_space<hbm>> -> memref<1x512xi32, #tpu.memory_space<hbm>>
    %dma_start3A_106 = tpu.memref_squeeze %dma_start3A_105 : memref<1x512xi32, #tpu.memory_space<hbm>> -> memref<512xi32, #tpu.memory_space<hbm>>
    %dma_start3A_107 = arith.constant 0 : i32
    %dma_start3A_108 = tpu.memref_slice %arg5[%dma_start3A_101, %dma_start3A_107] : memref<2x512xi32, #tpu.memory_space<vmem>> -> memref<1x512xi32, #tpu.memory_space<vmem>>
    %dma_start3A_109 = tpu.memref_squeeze %dma_start3A_108 : memref<1x512xi32, #tpu.memory_space<vmem>> -> memref<512xi32, #tpu.memory_space<vmem>>
    %dma_start3A_110 = tpu.memref_slice %arg3[%dma_start3A_100, %mul3A_2] : memref<50x16384xi32, #tpu.memory_space<hbm>> -> memref<1x512xi32, #tpu.memory_space<hbm>>
    %dma_start3A_111 = tpu.memref_squeeze %dma_start3A_110 : memref<1x512xi32, #tpu.memory_space<hbm>> -> memref<512xi32, #tpu.memory_space<hbm>>
    tpu.enqueue_dma source(%dma_start3A_111 : memref<512xi32, #tpu.memory_space<hbm>>) target(%dma_start3A_109 : memref<512xi32, #tpu.memory_space<vmem>>) target_semaphore(%arg8 : memref<!tpu.dma_semaphore, #tpu.memory_space<semaphore_mem>>)
    %scan3A = arith.constant 0 : i32
    %scan3A_112 = arith.constant 0 : i32
    %scan3A_113 = arith.constant 50 : i32
    %scan3A_114 = arith.addi %scan3A_112, %scan3A_113 : i32
    %scan3A_115 = arith.constant 1 : i32
    scf.for %scan3A_149 = %scan3A_112 to %scan3A_114 step %scan3A_115  : i32 {
      %rem3A = arith.constant 2 : i32
      %rem3A_150 = arith.remsi %scan3A_149, %rem3A : i32
      %sub3A = arith.constant 1 : i32
      %sub3A_151 = arith.subi %sub3A, %rem3A_150 : i32
      %dma_wait3A_152 = arith.constant 0 : i32
      %dma_wait3A_153 = arith.constant 0 : i32
      %dma_wait3A_154 = tpu.memref_slice %arg6[%rem3A_150, %dma_wait3A_152, %dma_wait3A_153] : memref<2x512x32xf32, #tpu.memory_space<vmem>> -> memref<1x512x32xf32, #tpu.memory_space<vmem>>
      %dma_wait3A_155 = tpu.memref_squeeze %dma_wait3A_154 : memref<1x512x32xf32, #tpu.memory_space<vmem>> -> memref<512x32xf32, #tpu.memory_space<vmem>>
      %dma_wait3A_156 = arith.constant 0 : i32
      %dma_wait3A_157 = tpu.memref_slice %arg5[%rem3A_150, %dma_wait3A_156] : memref<2x512xi32, #tpu.memory_space<vmem>> -> memref<1x512xi32, #tpu.memory_space<vmem>>
      %dma_wait3A_158 = tpu.memref_squeeze %dma_wait3A_157 : memref<1x512xi32, #tpu.memory_space<vmem>> -> memref<512xi32, #tpu.memory_space<vmem>>
      %dma_wait3A_159 = arith.constant 0 : i32
      %dma_wait3A_160 = arith.constant 0 : i32
      %dma_wait3A_161 = tpu.memref_slice %arg2[%dma_wait3A_159, %dma_wait3A_160] : memref<1000000x32xf32, #tpu.memory_space<hbm>> -> memref<1000000x32xf32, #tpu.memory_space<hbm>>
      tpu.wait_indirect_dma semaphore(%arg9 : memref<!tpu.dma_semaphore, #tpu.memory_space<semaphore_mem>>) src(%dma_wait3A_161 : memref<1000000x32xf32, #tpu.memory_space<hbm>>) dst(%dma_wait3A_155 : memref<512x32xf32, #tpu.memory_space<vmem>>)
      %lt3A = arith.constant 49 : i32
      %lt3A_162 = arith.cmpi slt, %scan3A_149, %lt3A : i32
      %convert_element_type3A = arith.extui %lt3A_162 : i1 to i32
      %cond3A = arith.constant 0 : i32
      %cond3A_163 = arith.cmpi ne, %convert_element_type3A, %cond3A : i32
      scf.if %cond3A_163 {
        %add3A_189 = arith.constant 1 : i32
        %add3A_190 = arith.addi %scan3A_149, %add3A_189 : i32
        %dma_wait3A_191 = arith.constant 0 : i32
        %dma_wait3A_192 = tpu.memref_slice %arg5[%sub3A_151, %dma_wait3A_191] : memref<2x512xi32, #tpu.memory_space<vmem>> -> memref<1x512xi32, #tpu.memory_space<vmem>>
        %dma_wait3A_193 = tpu.memref_squeeze %dma_wait3A_192 : memref<1x512xi32, #tpu.memory_space<vmem>> -> memref<512xi32, #tpu.memory_space<vmem>>
        %dma_wait3A_194 = tpu.memref_slice %arg3[%add3A_190, %mul3A_2] : memref<50x16384xi32, #tpu.memory_space<hbm>> -> memref<1x512xi32, #tpu.memory_space<hbm>>
        %dma_wait3A_195 = tpu.memref_squeeze %dma_wait3A_194 : memref<1x512xi32, #tpu.memory_space<hbm>> -> memref<512xi32, #tpu.memory_space<hbm>>
        %dma_wait3A_196 = arith.constant 0 : i32
        %dma_wait3A_197 = tpu.memref_slice %arg5[%sub3A_151, %dma_wait3A_196] : memref<2x512xi32, #tpu.memory_space<vmem>> -> memref<1x512xi32, #tpu.memory_space<vmem>>
        %dma_wait3A_198 = tpu.memref_squeeze %dma_wait3A_197 : memref<1x512xi32, #tpu.memory_space<vmem>> -> memref<512xi32, #tpu.memory_space<vmem>>
        %dma_wait3A_199 = tpu.memref_slice %arg3[%add3A_190, %mul3A_2] : memref<50x16384xi32, #tpu.memory_space<hbm>> -> memref<1x512xi32, #tpu.memory_space<hbm>>
        %dma_wait3A_200 = tpu.memref_squeeze %dma_wait3A_199 : memref<1x512xi32, #tpu.memory_space<hbm>> -> memref<512xi32, #tpu.memory_space<hbm>>
        tpu.wait_dma2 semaphore(%arg8 : memref<!tpu.dma_semaphore, #tpu.memory_space<semaphore_mem>>) src(%dma_wait3A_200 : memref<512xi32, #tpu.memory_space<hbm>>) dst(%dma_wait3A_198 : memref<512xi32, #tpu.memory_space<vmem>>)
        %dma_start3A_201 = arith.constant 0 : i32
        %dma_start3A_202 = arith.constant 0 : i32
        %dma_start3A_203 = tpu.memref_slice %arg6[%sub3A_151, %dma_start3A_201, %dma_start3A_202] : memref<2x512x32xf32, #tpu.memory_space<vmem>> -> memref<1x512x32xf32, #tpu.memory_space<vmem>>
        %dma_start3A_204 = tpu.memref_squeeze %dma_start3A_203 : memref<1x512x32xf32, #tpu.memory_space<vmem>> -> memref<512x32xf32, #tpu.memory_space<vmem>>
        %dma_start3A_205 = arith.constant 0 : i32
        %dma_start3A_206 = tpu.memref_slice %arg5[%sub3A_151, %dma_start3A_205] : memref<2x512xi32, #tpu.memory_space<vmem>> -> memref<1x512xi32, #tpu.memory_space<vmem>>
        %dma_start3A_207 = tpu.memref_squeeze %dma_start3A_206 : memref<1x512xi32, #tpu.memory_space<vmem>> -> memref<512xi32, #tpu.memory_space<vmem>>
        %dma_start3A_208 = arith.constant 0 : i32
        %dma_start3A_209 = arith.constant 0 : i32
        %dma_start3A_210 = tpu.memref_slice %arg2[%dma_start3A_208, %dma_start3A_209] : memref<1000000x32xf32, #tpu.memory_space<hbm>> -> memref<1000000x32xf32, #tpu.memory_space<hbm>>
        tpu.enqueue_indirect_dma source(%dma_start3A_210 : memref<1000000x32xf32, #tpu.memory_space<hbm>>) target(%dma_start3A_204 : memref<512x32xf32, #tpu.memory_space<vmem>>) offsets(%dma_start3A_207 : memref<512xi32, #tpu.memory_space<vmem>>) semaphore(%arg9 : memref<!tpu.dma_semaphore, #tpu.memory_space<semaphore_mem>>)
      } else {
      }
      %lt3A_164 = arith.constant 48 : i32
      %lt3A_165 = arith.cmpi slt, %scan3A_149, %lt3A_164 : i32
      %convert_element_type3A_166 = arith.extui %lt3A_165 : i1 to i32
      %cond3A_167 = arith.constant 0 : i32
      %cond3A_168 = arith.cmpi ne, %convert_element_type3A_166, %cond3A_167 : i32
      scf.if %cond3A_168 {
        %add3A_189 = arith.constant 2 : i32
        %add3A_190 = arith.addi %scan3A_149, %add3A_189 : i32
        %dma_start3A_191 = arith.constant 0 : i32
        %dma_start3A_192 = tpu.memref_slice %arg5[%rem3A_150, %dma_start3A_191] : memref<2x512xi32, #tpu.memory_space<vmem>> -> memref<1x512xi32, #tpu.memory_space<vmem>>
        %dma_start3A_193 = tpu.memref_squeeze %dma_start3A_192 : memref<1x512xi32, #tpu.memory_space<vmem>> -> memref<512xi32, #tpu.memory_space<vmem>>
        %dma_start3A_194 = tpu.memref_slice %arg3[%add3A_190, %mul3A_2] : memref<50x16384xi32, #tpu.memory_space<hbm>> -> memref<1x512xi32, #tpu.memory_space<hbm>>
        %dma_start3A_195 = tpu.memref_squeeze %dma_start3A_194 : memref<1x512xi32, #tpu.memory_space<hbm>> -> memref<512xi32, #tpu.memory_space<hbm>>
        %dma_start3A_196 = arith.constant 0 : i32
        %dma_start3A_197 = tpu.memref_slice %arg5[%rem3A_150, %dma_start3A_196] : memref<2x512xi32, #tpu.memory_space<vmem>> -> memref<1x512xi32, #tpu.memory_space<vmem>>
        %dma_start3A_198 = tpu.memref_squeeze %dma_start3A_197 : memref<1x512xi32, #tpu.memory_space<vmem>> -> memref<512xi32, #tpu.memory_space<vmem>>
        %dma_start3A_199 = tpu.memref_slice %arg3[%add3A_190, %mul3A_2] : memref<50x16384xi32, #tpu.memory_space<hbm>> -> memref<1x512xi32, #tpu.memory_space<hbm>>
        %dma_start3A_200 = tpu.memref_squeeze %dma_start3A_199 : memref<1x512xi32, #tpu.memory_space<hbm>> -> memref<512xi32, #tpu.memory_space<hbm>>
        tpu.enqueue_dma source(%dma_start3A_200 : memref<512xi32, #tpu.memory_space<hbm>>) target(%dma_start3A_198 : memref<512xi32, #tpu.memory_space<vmem>>) target_semaphore(%arg8 : memref<!tpu.dma_semaphore, #tpu.memory_space<semaphore_mem>>)
      } else {
      }
      %ge3A = arith.constant 2 : i32
      %ge3A_169 = arith.cmpi sge, %scan3A_149, %ge3A : i32
      %convert_element_type3A_170 = arith.extui %ge3A_169 : i1 to i32
      %cond3A_171 = arith.constant 0 : i32
      %cond3A_172 = arith.cmpi ne, %convert_element_type3A_170, %cond3A_171 : i32
      scf.if %cond3A_172 {
        %sub3A_189 = arith.constant 2 : i32
        %sub3A_190 = arith.subi %scan3A_149, %sub3A_189 : i32
        %dma_wait3A_191 = arith.constant 0 : i32
        %dma_wait3A_192 = arith.constant 0 : i32
        %dma_wait3A_193 = tpu.memref_slice %arg7[%rem3A_150, %dma_wait3A_191, %dma_wait3A_192] : memref<2x32x512xf32, #tpu.memory_space<vmem>> -> memref<1x32x512xf32, #tpu.memory_space<vmem>>
        %dma_wait3A_194 = tpu.memref_squeeze %dma_wait3A_193 : memref<1x32x512xf32, #tpu.memory_space<vmem>> -> memref<32x512xf32, #tpu.memory_space<vmem>>
        %dma_wait3A_195 = arith.constant 0 : i32
        %dma_wait3A_196 = tpu.memref_slice %arg4[%sub3A_190, %dma_wait3A_195, %mul3A_2] : memref<50x32x16384xf32, #tpu.memory_space<hbm>> -> memref<1x32x512xf32, #tpu.memory_space<hbm>>
        %dma_wait3A_197 = tpu.memref_squeeze %dma_wait3A_196 : memref<1x32x512xf32, #tpu.memory_space<hbm>> -> memref<32x512xf32, #tpu.memory_space<hbm>>
        %dma_wait3A_198 = arith.constant 0 : i32
        %dma_wait3A_199 = tpu.memref_slice %arg4[%sub3A_190, %dma_wait3A_198, %mul3A_2] : memref<50x32x16384xf32, #tpu.memory_space<hbm>> -> memref<1x32x512xf32, #tpu.memory_space<hbm>>
        %dma_wait3A_200 = tpu.memref_squeeze %dma_wait3A_199 : memref<1x32x512xf32, #tpu.memory_space<hbm>> -> memref<32x512xf32, #tpu.memory_space<hbm>>
        %dma_wait3A_201 = arith.constant 0 : i32
        %dma_wait3A_202 = arith.constant 0 : i32
        %dma_wait3A_203 = tpu.memref_slice %arg7[%rem3A_150, %dma_wait3A_201, %dma_wait3A_202] : memref<2x32x512xf32, #tpu.memory_space<vmem>> -> memref<1x32x512xf32, #tpu.memory_space<vmem>>
        %dma_wait3A_204 = tpu.memref_squeeze %dma_wait3A_203 : memref<1x32x512xf32, #tpu.memory_space<vmem>> -> memref<32x512xf32, #tpu.memory_space<vmem>>
        tpu.wait_dma2 semaphore(%arg10 : memref<!tpu.dma_semaphore, #tpu.memory_space<semaphore_mem>>) src(%dma_wait3A_204 : memref<32x512xf32, #tpu.memory_space<vmem>>) dst(%dma_wait3A_200 : memref<32x512xf32, #tpu.memory_space<hbm>>)
      } else {
      }
      %parallel_loop3A = arith.constant 0 : i32
      %parallel_loop3A_173 = arith.constant 32 : i32
      %parallel_loop3A_174 = arith.constant 1 : i32
      scf.for %parallel_loop3A_189 = %parallel_loop3A to %parallel_loop3A_173 step %parallel_loop3A_174  : i32 {
        %parallel_loop3A_190 = arith.constant 16 : i32
        %parallel_loop3A_191 = arith.muli %parallel_loop3A_189, %parallel_loop3A_190 : i32
        %parallel_loop3A_192 = vector.broadcast %parallel_loop3A_191 : i32 to vector<16xi32>
        %parallel_loop3A_193 = arith.addi %parallel_loop3A_192, %iota3A : vector<16xi32>
        %parallel_loop3A_194 = arith.constant 0 : i32
        %parallel_loop3A_195 = arith.constant 0 : i32
        %parallel_loop3A_196 = tpu.memref_slice %arg6[%rem3A_150, %parallel_loop3A_194, %parallel_loop3A_195] : memref<2x512x32xf32, #tpu.memory_space<vmem>> -> memref<1x512x32xf32, #tpu.memory_space<vmem>>
        %parallel_loop3A_197 = tpu.memref_squeeze %parallel_loop3A_196 : memref<1x512x32xf32, #tpu.memory_space<vmem>> -> memref<512x32xf32, #tpu.memory_space<vmem>>
        %parallel_loop3A_198 = tpu.vector_load_idx %parallel_loop3A_197[%parallel_loop3A_193, %broadcast_in_dim3A_3] : memref<512x32xf32, #tpu.memory_space<vmem>>[vector<16xi32>, vector<16xi32>], vector<16xf32>,
        %parallel_loop3A_199 = arith.constant 16 : i32
        %parallel_loop3A_200 = arith.muli %parallel_loop3A_189, %parallel_loop3A_199 : i32
        %parallel_loop3A_201 = arith.constant 0 : i32
        %parallel_loop3A_202 = arith.constant 0 : i32
        %parallel_loop3A_203 = arith.constant 0 : i32
        %parallel_loop3A_204 = tpu.memref_slice %arg7[%rem3A_150, %parallel_loop3A_202, %parallel_loop3A_203] : memref<2x32x512xf32, #tpu.memory_space<vmem>> -> memref<1x32x512xf32, #tpu.memory_space<vmem>>
        %parallel_loop3A_205 = tpu.memref_squeeze %parallel_loop3A_204 : memref<1x32x512xf32, #tpu.memory_space<vmem>> -> memref<32x512xf32, #tpu.memory_space<vmem>>
        %parallel_loop3A_206 = arith.index_cast %parallel_loop3A_201 : i32 to index
        %parallel_loop3A_207 = arith.index_cast %parallel_loop3A_200 : i32 to index
        %parallel_loop3A_208 = tpu.vector_load %parallel_loop3A_205[%parallel_loop3A_206, %parallel_loop3A_207] {strides = array<i32>} : memref<32x512xf32, #tpu.memory_space<vmem>>, vector<16xf32>,
        tpu.vector_store %parallel_loop3A_205[%parallel_loop3A_206, %parallel_loop3A_207], %parallel_loop3A_198 {strides = array<i32>} : memref<32x512xf32, #tpu.memory_space<vmem>>, vector<16xf32>,
        %parallel_loop3A_209 = arith.constant 0 : i32
        %parallel_loop3A_210 = arith.constant 0 : i32
        %parallel_loop3A_211 = tpu.memref_slice %arg6[%rem3A_150, %parallel_loop3A_209, %parallel_loop3A_210] : memref<2x512x32xf32, #tpu.memory_space<vmem>> -> memref<1x512x32xf32, #tpu.memory_space<vmem>>
        %parallel_loop3A_212 = tpu.memref_squeeze %parallel_loop3A_211 : memref<1x512x32xf32, #tpu.memory_space<vmem>> -> memref<512x32xf32, #tpu.memory_space<vmem>>
        %parallel_loop3A_213 = tpu.vector_load_idx %parallel_loop3A_212[%parallel_loop3A_193, %broadcast_in_dim3A_5] : memref<512x32xf32, #tpu.memory_space<vmem>>[vector<16xi32>, vector<16xi32>], vector<16xf32>,
        %parallel_loop3A_214 = arith.constant 16 : i32
        %parallel_loop3A_215 = arith.muli %parallel_loop3A_189, %parallel_loop3A_214 : i32
        %parallel_loop3A_216 = arith.constant 1 : i32
        %parallel_loop3A_217 = arith.constant 0 : i32
        %parallel_loop3A_218 = arith.constant 0 : i32
        %parallel_loop3A_219 = tpu.memref_slice %arg7[%rem3A_150, %parallel_loop3A_217, %parallel_loop3A_218] : memref<2x32x512xf32, #tpu.memory_space<vmem>> -> memref<1x32x512xf32, #tpu.memory_space<vmem>>
        %parallel_loop3A_220 = tpu.memref_squeeze %parallel_loop3A_219 : memref<1x32x512xf32, #tpu.memory_space<vmem>> -> memref<32x512xf32, #tpu.memory_space<vmem>>
        %parallel_loop3A_221 = arith.index_cast %parallel_loop3A_216 : i32 to index
        %parallel_loop3A_222 = arith.index_cast %parallel_loop3A_215 : i32 to index
        %parallel_loop3A_223 = tpu.vector_load %parallel_loop3A_220[%parallel_loop3A_221, %parallel_loop3A_222] {strides = array<i32>} : memref<32x512xf32, #tpu.memory_space<vmem>>, vector<16xf32>,
        tpu.vector_store %parallel_loop3A_220[%parallel_loop3A_221, %parallel_loop3A_222], %parallel_loop3A_213 {strides = array<i32>} : memref<32x512xf32, #tpu.memory_space<vmem>>, vector<16xf32>,
        %parallel_loop3A_224 = arith.constant 0 : i32
        %parallel_loop3A_225 = arith.constant 0 : i32
        %parallel_loop3A_226 = tpu.memref_slice %arg6[%rem3A_150, %parallel_loop3A_224, %parallel_loop3A_225] : memref<2x512x32xf32, #tpu.memory_space<vmem>> -> memref<1x512x32xf32, #tpu.memory_space<vmem>>
        %parallel_loop3A_227 = tpu.memref_squeeze %parallel_loop3A_226 : memref<1x512x32xf32, #tpu.memory_space<vmem>> -> memref<512x32xf32, #tpu.memory_space<vmem>>
        %parallel_loop3A_228 = tpu.vector_load_idx %parallel_loop3A_227[%parallel_loop3A_193, %broadcast_in_dim3A_7] : memref<512x32xf32, #tpu.memory_space<vmem>>[vector<16xi32>, vector<16xi32>], vector<16xf32>,
        %parallel_loop3A_229 = arith.constant 16 : i32
        %parallel_loop3A_230 = arith.muli %parallel_loop3A_189, %parallel_loop3A_229 : i32
        %parallel_loop3A_231 = arith.constant 2 : i32
        %parallel_loop3A_232 = arith.constant 0 : i32
        %parallel_loop3A_233 = arith.constant 0 : i32
        %parallel_loop3A_234 = tpu.memref_slice %arg7[%rem3A_150, %parallel_loop3A_232, %parallel_loop3A_233] : memref<2x32x512xf32, #tpu.memory_space<vmem>> -> memref<1x32x512xf32, #tpu.memory_space<vmem>>
        %parallel_loop3A_235 = tpu.memref_squeeze %parallel_loop3A_234 : memref<1x32x512xf32, #tpu.memory_space<vmem>> -> memref<32x512xf32, #tpu.memory_space<vmem>>
        %parallel_loop3A_236 = arith.index_cast %parallel_loop3A_231 : i32 to index
        %parallel_loop3A_237 = arith.index_cast %parallel_loop3A_230 : i32 to index
        %parallel_loop3A_238 = tpu.vector_load %parallel_loop3A_235[%parallel_loop3A_236, %parallel_loop3A_237] {strides = array<i32>} : memref<32x512xf32, #tpu.memory_space<vmem>>, vector<16xf32>,
        tpu.vector_store %parallel_loop3A_235[%parallel_loop3A_236, %parallel_loop3A_237], %parallel_loop3A_228 {strides = array<i32>} : memref<32x512xf32, #tpu.memory_space<vmem>>, vector<16xf32>,
        %parallel_loop3A_239 = arith.constant 0 : i32
        %parallel_loop3A_240 = arith.constant 0 : i32
        %parallel_loop3A_241 = tpu.memref_slice %arg6[%rem3A_150, %parallel_loop3A_239, %parallel_loop3A_240] : memref<2x512x32xf32, #tpu.memory_space<vmem>> -> memref<1x512x32xf32, #tpu.memory_space<vmem>>
        %parallel_loop3A_242 = tpu.memref_squeeze %parallel_loop3A_241 : memref<1x512x32xf32, #tpu.memory_space<vmem>> -> memref<512x32xf32, #tpu.memory_space<vmem>>
        %parallel_loop3A_243 = tpu.vector_load_idx %parallel_loop3A_242[%parallel_loop3A_193, %broadcast_in_dim3A_9] : memref<512x32xf32, #tpu.memory_space<vmem>>[vector<16xi32>, vector<16xi32>], vector<16xf32>,
        %parallel_loop3A_244 = arith.constant 16 : i32
        %parallel_loop3A_245 = arith.muli %parallel_loop3A_189, %parallel_loop3A_244 : i32
        %parallel_loop3A_246 = arith.constant 3 : i32
        %parallel_loop3A_247 = arith.constant 0 : i32
        %parallel_loop3A_248 = arith.constant 0 : i32
        %parallel_loop3A_249 = tpu.memref_slice %arg7[%rem3A_150, %parallel_loop3A_247, %parallel_loop3A_248] : memref<2x32x512xf32, #tpu.memory_space<vmem>> -> memref<1x32x512xf32, #tpu.memory_space<vmem>>
        %parallel_loop3A_250 = tpu.memref_squeeze %parallel_loop3A_249 : memref<1x32x512xf32, #tpu.memory_space<vmem>> -> memref<32x512xf32, #tpu.memory_space<vmem>>
        %parallel_loop3A_251 = arith.index_cast %parallel_loop3A_246 : i32 to index
        %parallel_loop3A_252 = arith.index_cast %parallel_loop3A_245 : i32 to index
        %parallel_loop3A_253 = tpu.vector_load %parallel_loop3A_250[%parallel_loop3A_251, %parallel_loop3A_252] {strides = array<i32>} : memref<32x512xf32, #tpu.memory_space<vmem>>, vector<16xf32>,
        tpu.vector_store %parallel_loop3A_250[%parallel_loop3A_251, %parallel_loop3A_252], %parallel_loop3A_243 {strides = array<i32>} : memref<32x512xf32, #tpu.memory_space<vmem>>, vector<16xf32>,
        %parallel_loop3A_254 = arith.constant 0 : i32
        %parallel_loop3A_255 = arith.constant 0 : i32
        %parallel_loop3A_256 = tpu.memref_slice %arg6[%rem3A_150, %parallel_loop3A_254, %parallel_loop3A_255] : memref<2x512x32xf32, #tpu.memory_space<vmem>> -> memref<1x512x32xf32, #tpu.memory_space<vmem>>
        %parallel_loop3A_257 = tpu.memref_squeeze %parallel_loop3A_256 : memref<1x512x32xf32, #tpu.memory_space<vmem>> -> memref<512x32xf32, #tpu.memory_space<vmem>>
        %parallel_loop3A_258 = tpu.vector_load_idx %parallel_loop3A_257[%parallel_loop3A_193, %broadcast_in_dim3A_11] : memref<512x32xf32, #tpu.memory_space<vmem>>[vector<16xi32>, vector<16xi32>], vector<16xf32>,
        %parallel_loop3A_259 = arith.constant 16 : i32
        %parallel_loop3A_260 = arith.muli %parallel_loop3A_189, %parallel_loop3A_259 : i32
        %parallel_loop3A_261 = arith.constant 4 : i32
        %parallel_loop3A_262 = arith.constant 0 : i32
        %parallel_loop3A_263 = arith.constant 0 : i32
        %parallel_loop3A_264 = tpu.memref_slice %arg7[%rem3A_150, %parallel_loop3A_262, %parallel_loop3A_263] : memref<2x32x512xf32, #tpu.memory_space<vmem>> -> memref<1x32x512xf32, #tpu.memory_space<vmem>>
        %parallel_loop3A_265 = tpu.memref_squeeze %parallel_loop3A_264 : memref<1x32x512xf32, #tpu.memory_space<vmem>> -> memref<32x512xf32, #tpu.memory_space<vmem>>
        %parallel_loop3A_266 = arith.index_cast %parallel_loop3A_261 : i32 to index
        %parallel_loop3A_267 = arith.index_cast %parallel_loop3A_260 : i32 to index
        %parallel_loop3A_268 = tpu.vector_load %parallel_loop3A_265[%parallel_loop3A_266, %parallel_loop3A_267] {strides = array<i32>} : memref<32x512xf32, #tpu.memory_space<vmem>>, vector<16xf32>,
        tpu.vector_store %parallel_loop3A_265[%parallel_loop3A_266, %parallel_loop3A_267], %parallel_loop3A_258 {strides = array<i32>} : memref<32x512xf32, #tpu.memory_space<vmem>>, vector<16xf32>,
        %parallel_loop3A_269 = arith.constant 0 : i32
        %parallel_loop3A_270 = arith.constant 0 : i32
        %parallel_loop3A_271 = tpu.memref_slice %arg6[%rem3A_150, %parallel_loop3A_269, %parallel_loop3A_270] : memref<2x512x32xf32, #tpu.memory_space<vmem>> -> memref<1x512x32xf32, #tpu.memory_space<vmem>>
        %parallel_loop3A_272 = tpu.memref_squeeze %parallel_loop3A_271 : memref<1x512x32xf32, #tpu.memory_space<vmem>> -> memref<512x32xf32, #tpu.memory_space<vmem>>
        %parallel_loop3A_273 = tpu.vector_load_idx %parallel_loop3A_272[%parallel_loop3A_193, %broadcast_in_dim3A_13] : memref<512x32xf32, #tpu.memory_space<vmem>>[vector<16xi32>, vector<16xi32>], vector<16xf32>,
        %parallel_loop3A_274 = arith.constant 16 : i32
        %parallel_loop3A_275 = arith.muli %parallel_loop3A_189, %parallel_loop3A_274 : i32
        %parallel_loop3A_276 = arith.constant 5 : i32
        %parallel_loop3A_277 = arith.constant 0 : i32
        %parallel_loop3A_278 = arith.constant 0 : i32
        %parallel_loop3A_279 = tpu.memref_slice %arg7[%rem3A_150, %parallel_loop3A_277, %parallel_loop3A_278] : memref<2x32x512xf32, #tpu.memory_space<vmem>> -> memref<1x32x512xf32, #tpu.memory_space<vmem>>
        %parallel_loop3A_280 = tpu.memref_squeeze %parallel_loop3A_279 : memref<1x32x512xf32, #tpu.memory_space<vmem>> -> memref<32x512xf32, #tpu.memory_space<vmem>>
        %parallel_loop3A_281 = arith.index_cast %parallel_loop3A_276 : i32 to index
        %parallel_loop3A_282 = arith.index_cast %parallel_loop3A_275 : i32 to index
        %parallel_loop3A_283 = tpu.vector_load %parallel_loop3A_280[%parallel_loop3A_281, %parallel_loop3A_282] {strides = array<i32>} : memref<32x512xf32, #tpu.memory_space<vmem>>, vector<16xf32>,
        tpu.vector_store %parallel_loop3A_280[%parallel_loop3A_281, %parallel_loop3A_282], %parallel_loop3A_273 {strides = array<i32>} : memref<32x512xf32, #tpu.memory_space<vmem>>, vector<16xf32>,
        %parallel_loop3A_284 = arith.constant 0 : i32
        %parallel_loop3A_285 = arith.constant 0 : i32
        %parallel_loop3A_286 = tpu.memref_slice %arg6[%rem3A_150, %parallel_loop3A_284, %parallel_loop3A_285] : memref<2x512x32xf32, #tpu.memory_space<vmem>> -> memref<1x512x32xf32, #tpu.memory_space<vmem>>
        %parallel_loop3A_287 = tpu.memref_squeeze %parallel_loop3A_286 : memref<1x512x32xf32, #tpu.memory_space<vmem>> -> memref<512x32xf32, #tpu.memory_space<vmem>>
        %parallel_loop3A_288 = tpu.vector_load_idx %parallel_loop3A_287[%parallel_loop3A_193, %broadcast_in_dim3A_15] : memref<512x32xf32, #tpu.memory_space<vmem>>[vector<16xi32>, vector<16xi32>], vector<16xf32>,
        %parallel_loop3A_289 = arith.constant 16 : i32
        %parallel_loop3A_290 = arith.muli %parallel_loop3A_189, %parallel_loop3A_289 : i32
        %parallel_loop3A_291 = arith.constant 6 : i32
        %parallel_loop3A_292 = arith.constant 0 : i32
        %parallel_loop3A_293 = arith.constant 0 : i32
        %parallel_loop3A_294 = tpu.memref_slice %arg7[%rem3A_150, %parallel_loop3A_292, %parallel_loop3A_293] : memref<2x32x512xf32, #tpu.memory_space<vmem>> -> memref<1x32x512xf32, #tpu.memory_space<vmem>>
        %parallel_loop3A_295 = tpu.memref_squeeze %parallel_loop3A_294 : memref<1x32x512xf32, #tpu.memory_space<vmem>> -> memref<32x512xf32, #tpu.memory_space<vmem>>
        %parallel_loop3A_296 = arith.index_cast %parallel_loop3A_291 : i32 to index
        %parallel_loop3A_297 = arith.index_cast %parallel_loop3A_290 : i32 to index
        %parallel_loop3A_298 = tpu.vector_load %parallel_loop3A_295[%parallel_loop3A_296, %parallel_loop3A_297] {strides = array<i32>} : memref<32x512xf32, #tpu.memory_space<vmem>>, vector<16xf32>,
        tpu.vector_store %parallel_loop3A_295[%parallel_loop3A_296, %parallel_loop3A_297], %parallel_loop3A_288 {strides = array<i32>} : memref<32x512xf32, #tpu.memory_space<vmem>>, vector<16xf32>,
        %parallel_loop3A_299 = arith.constant 0 : i32
        %parallel_loop3A_300 = arith.constant 0 : i32
        %parallel_loop3A_301 = tpu.memref_slice %arg6[%rem3A_150, %parallel_loop3A_299, %parallel_loop3A_300] : memref<2x512x32xf32, #tpu.memory_space<vmem>> -> memref<1x512x32xf32, #tpu.memory_space<vmem>>
        %parallel_loop3A_302 = tpu.memref_squeeze %parallel_loop3A_301 : memref<1x512x32xf32, #tpu.memory_space<vmem>> -> memref<512x32xf32, #tpu.memory_space<vmem>>
        %parallel_loop3A_303 = tpu.vector_load_idx %parallel_loop3A_302[%parallel_loop3A_193, %broadcast_in_dim3A_17] : memref<512x32xf32, #tpu.memory_space<vmem>>[vector<16xi32>, vector<16xi32>], vector<16xf32>,
        %parallel_loop3A_304 = arith.constant 16 : i32
        %parallel_loop3A_305 = arith.muli %parallel_loop3A_189, %parallel_loop3A_304 : i32
        %parallel_loop3A_306 = arith.constant 7 : i32
        %parallel_loop3A_307 = arith.constant 0 : i32
        %parallel_loop3A_308 = arith.constant 0 : i32
        %parallel_loop3A_309 = tpu.memref_slice %arg7[%rem3A_150, %parallel_loop3A_307, %parallel_loop3A_308] : memref<2x32x512xf32, #tpu.memory_space<vmem>> -> memref<1x32x512xf32, #tpu.memory_space<vmem>>
        %parallel_loop3A_310 = tpu.memref_squeeze %parallel_loop3A_309 : memref<1x32x512xf32, #tpu.memory_space<vmem>> -> memref<32x512xf32, #tpu.memory_space<vmem>>
        %parallel_loop3A_311 = arith.index_cast %parallel_loop3A_306 : i32 to index
        %parallel_loop3A_312 = arith.index_cast %parallel_loop3A_305 : i32 to index
        %parallel_loop3A_313 = tpu.vector_load %parallel_loop3A_310[%parallel_loop3A_311, %parallel_loop3A_312] {strides = array<i32>} : memref<32x512xf32, #tpu.memory_space<vmem>>, vector<16xf32>,
        tpu.vector_store %parallel_loop3A_310[%parallel_loop3A_311, %parallel_loop3A_312], %parallel_loop3A_303 {strides = array<i32>} : memref<32x512xf32, #tpu.memory_space<vmem>>, vector<16xf32>,
        %parallel_loop3A_314 = arith.constant 0 : i32
        %parallel_loop3A_315 = arith.constant 0 : i32
        %parallel_loop3A_316 = tpu.memref_slice %arg6[%rem3A_150, %parallel_loop3A_314, %parallel_loop3A_315] : memref<2x512x32xf32, #tpu.memory_space<vmem>> -> memref<1x512x32xf32, #tpu.memory_space<vmem>>
        %parallel_loop3A_317 = tpu.memref_squeeze %parallel_loop3A_316 : memref<1x512x32xf32, #tpu.memory_space<vmem>> -> memref<512x32xf32, #tpu.memory_space<vmem>>
        %parallel_loop3A_318 = tpu.vector_load_idx %parallel_loop3A_317[%parallel_loop3A_193, %broadcast_in_dim3A_19] : memref<512x32xf32, #tpu.memory_space<vmem>>[vector<16xi32>, vector<16xi32>], vector<16xf32>,
        %parallel_loop3A_319 = arith.constant 16 : i32
        %parallel_loop3A_320 = arith.muli %parallel_loop3A_189, %parallel_loop3A_319 : i32
        %parallel_loop3A_321 = arith.constant 8 : i32
        %parallel_loop3A_322 = arith.constant 0 : i32
        %parallel_loop3A_323 = arith.constant 0 : i32
        %parallel_loop3A_324 = tpu.memref_slice %arg7[%rem3A_150, %parallel_loop3A_322, %parallel_loop3A_323] : memref<2x32x512xf32, #tpu.memory_space<vmem>> -> memref<1x32x512xf32, #tpu.memory_space<vmem>>
        %parallel_loop3A_325 = tpu.memref_squeeze %parallel_loop3A_324 : memref<1x32x512xf32, #tpu.memory_space<vmem>> -> memref<32x512xf32, #tpu.memory_space<vmem>>
        %parallel_loop3A_326 = arith.index_cast %parallel_loop3A_321 : i32 to index
        %parallel_loop3A_327 = arith.index_cast %parallel_loop3A_320 : i32 to index
        %parallel_loop3A_328 = tpu.vector_load %parallel_loop3A_325[%parallel_loop3A_326, %parallel_loop3A_327] {strides = array<i32>} : memref<32x512xf32, #tpu.memory_space<vmem>>, vector<16xf32>,
        tpu.vector_store %parallel_loop3A_325[%parallel_loop3A_326, %parallel_loop3A_327], %parallel_loop3A_318 {strides = array<i32>} : memref<32x512xf32, #tpu.memory_space<vmem>>, vector<16xf32>,
        %parallel_loop3A_329 = arith.constant 0 : i32
        %parallel_loop3A_330 = arith.constant 0 : i32
        %parallel_loop3A_331 = tpu.memref_slice %arg6[%rem3A_150, %parallel_loop3A_329, %parallel_loop3A_330] : memref<2x512x32xf32, #tpu.memory_space<vmem>> -> memref<1x512x32xf32, #tpu.memory_space<vmem>>
        %parallel_loop3A_332 = tpu.memref_squeeze %parallel_loop3A_331 : memref<1x512x32xf32, #tpu.memory_space<vmem>> -> memref<512x32xf32, #tpu.memory_space<vmem>>
        %parallel_loop3A_333 = tpu.vector_load_idx %parallel_loop3A_332[%parallel_loop3A_193, %broadcast_in_dim3A_21] : memref<512x32xf32, #tpu.memory_space<vmem>>[vector<16xi32>, vector<16xi32>], vector<16xf32>,
        %parallel_loop3A_334 = arith.constant 16 : i32
        %parallel_loop3A_335 = arith.muli %parallel_loop3A_189, %parallel_loop3A_334 : i32
        %parallel_loop3A_336 = arith.constant 9 : i32
        %parallel_loop3A_337 = arith.constant 0 : i32
        %parallel_loop3A_338 = arith.constant 0 : i32
        %parallel_loop3A_339 = tpu.memref_slice %arg7[%rem3A_150, %parallel_loop3A_337, %parallel_loop3A_338] : memref<2x32x512xf32, #tpu.memory_space<vmem>> -> memref<1x32x512xf32, #tpu.memory_space<vmem>>
        %parallel_loop3A_340 = tpu.memref_squeeze %parallel_loop3A_339 : memref<1x32x512xf32, #tpu.memory_space<vmem>> -> memref<32x512xf32, #tpu.memory_space<vmem>>
        %parallel_loop3A_341 = arith.index_cast %parallel_loop3A_336 : i32 to index
        %parallel_loop3A_342 = arith.index_cast %parallel_loop3A_335 : i32 to index
        %parallel_loop3A_343 = tpu.vector_load %parallel_loop3A_340[%parallel_loop3A_341, %parallel_loop3A_342] {strides = array<i32>} : memref<32x512xf32, #tpu.memory_space<vmem>>, vector<16xf32>,
        tpu.vector_store %parallel_loop3A_340[%parallel_loop3A_341, %parallel_loop3A_342], %parallel_loop3A_333 {strides = array<i32>} : memref<32x512xf32, #tpu.memory_space<vmem>>, vector<16xf32>,
        %parallel_loop3A_344 = arith.constant 0 : i32
        %parallel_loop3A_345 = arith.constant 0 : i32
        %parallel_loop3A_346 = tpu.memref_slice %arg6[%rem3A_150, %parallel_loop3A_344, %parallel_loop3A_345] : memref<2x512x32xf32, #tpu.memory_space<vmem>> -> memref<1x512x32xf32, #tpu.memory_space<vmem>>
        %parallel_loop3A_347 = tpu.memref_squeeze %parallel_loop3A_346 : memref<1x512x32xf32, #tpu.memory_space<vmem>> -> memref<512x32xf32, #tpu.memory_space<vmem>>
        %parallel_loop3A_348 = tpu.vector_load_idx %parallel_loop3A_347[%parallel_loop3A_193, %broadcast_in_dim3A_23] : memref<512x32xf32, #tpu.memory_space<vmem>>[vector<16xi32>, vector<16xi32>], vector<16xf32>,
        %parallel_loop3A_349 = arith.constant 16 : i32
        %parallel_loop3A_350 = arith.muli %parallel_loop3A_189, %parallel_loop3A_349 : i32
        %parallel_loop3A_351 = arith.constant 10 : i32
        %parallel_loop3A_352 = arith.constant 0 : i32
        %parallel_loop3A_353 = arith.constant 0 : i32
        %parallel_loop3A_354 = tpu.memref_slice %arg7[%rem3A_150, %parallel_loop3A_352, %parallel_loop3A_353] : memref<2x32x512xf32, #tpu.memory_space<vmem>> -> memref<1x32x512xf32, #tpu.memory_space<vmem>>
        %parallel_loop3A_355 = tpu.memref_squeeze %parallel_loop3A_354 : memref<1x32x512xf32, #tpu.memory_space<vmem>> -> memref<32x512xf32, #tpu.memory_space<vmem>>
        %parallel_loop3A_356 = arith.index_cast %parallel_loop3A_351 : i32 to index
        %parallel_loop3A_357 = arith.index_cast %parallel_loop3A_350 : i32 to index
        %parallel_loop3A_358 = tpu.vector_load %parallel_loop3A_355[%parallel_loop3A_356, %parallel_loop3A_357] {strides = array<i32>} : memref<32x512xf32, #tpu.memory_space<vmem>>, vector<16xf32>,
        tpu.vector_store %parallel_loop3A_355[%parallel_loop3A_356, %parallel_loop3A_357], %parallel_loop3A_348 {strides = array<i32>} : memref<32x512xf32, #tpu.memory_space<vmem>>, vector<16xf32>,
        %parallel_loop3A_359 = arith.constant 0 : i32
        %parallel_loop3A_360 = arith.constant 0 : i32
        %parallel_loop3A_361 = tpu.memref_slice %arg6[%rem3A_150, %parallel_loop3A_359, %parallel_loop3A_360] : memref<2x512x32xf32, #tpu.memory_space<vmem>> -> memref<1x512x32xf32, #tpu.memory_space<vmem>>
        %parallel_loop3A_362 = tpu.memref_squeeze %parallel_loop3A_361 : memref<1x512x32xf32, #tpu.memory_space<vmem>> -> memref<512x32xf32, #tpu.memory_space<vmem>>
        %parallel_loop3A_363 = tpu.vector_load_idx %parallel_loop3A_362[%parallel_loop3A_193, %broadcast_in_dim3A_25] : memref<512x32xf32, #tpu.memory_space<vmem>>[vector<16xi32>, vector<16xi32>], vector<16xf32>,
        %parallel_loop3A_364 = arith.constant 16 : i32
        %parallel_loop3A_365 = arith.muli %parallel_loop3A_189, %parallel_loop3A_364 : i32
        %parallel_loop3A_366 = arith.constant 11 : i32
        %parallel_loop3A_367 = arith.constant 0 : i32
        %parallel_loop3A_368 = arith.constant 0 : i32
        %parallel_loop3A_369 = tpu.memref_slice %arg7[%rem3A_150, %parallel_loop3A_367, %parallel_loop3A_368] : memref<2x32x512xf32, #tpu.memory_space<vmem>> -> memref<1x32x512xf32, #tpu.memory_space<vmem>>
        %parallel_loop3A_370 = tpu.memref_squeeze %parallel_loop3A_369 : memref<1x32x512xf32, #tpu.memory_space<vmem>> -> memref<32x512xf32, #tpu.memory_space<vmem>>
        %parallel_loop3A_371 = arith.index_cast %parallel_loop3A_366 : i32 to index
        %parallel_loop3A_372 = arith.index_cast %parallel_loop3A_365 : i32 to index
        %parallel_loop3A_373 = tpu.vector_load %parallel_loop3A_370[%parallel_loop3A_371, %parallel_loop3A_372] {strides = array<i32>} : memref<32x512xf32, #tpu.memory_space<vmem>>, vector<16xf32>,
        tpu.vector_store %parallel_loop3A_370[%parallel_loop3A_371, %parallel_loop3A_372], %parallel_loop3A_363 {strides = array<i32>} : memref<32x512xf32, #tpu.memory_space<vmem>>, vector<16xf32>,
        %parallel_loop3A_374 = arith.constant 0 : i32
        %parallel_loop3A_375 = arith.constant 0 : i32
        %parallel_loop3A_376 = tpu.memref_slice %arg6[%rem3A_150, %parallel_loop3A_374, %parallel_loop3A_375] : memref<2x512x32xf32, #tpu.memory_space<vmem>> -> memref<1x512x32xf32, #tpu.memory_space<vmem>>
        %parallel_loop3A_377 = tpu.memref_squeeze %parallel_loop3A_376 : memref<1x512x32xf32, #tpu.memory_space<vmem>> -> memref<512x32xf32, #tpu.memory_space<vmem>>
        %parallel_loop3A_378 = tpu.vector_load_idx %parallel_loop3A_377[%parallel_loop3A_193, %broadcast_in_dim3A_27] : memref<512x32xf32, #tpu.memory_space<vmem>>[vector<16xi32>, vector<16xi32>], vector<16xf32>,
        %parallel_loop3A_379 = arith.constant 16 : i32
        %parallel_loop3A_380 = arith.muli %parallel_loop3A_189, %parallel_loop3A_379 : i32
        %parallel_loop3A_381 = arith.constant 12 : i32
        %parallel_loop3A_382 = arith.constant 0 : i32
        %parallel_loop3A_383 = arith.constant 0 : i32
        %parallel_loop3A_384 = tpu.memref_slice %arg7[%rem3A_150, %parallel_loop3A_382, %parallel_loop3A_383] : memref<2x32x512xf32, #tpu.memory_space<vmem>> -> memref<1x32x512xf32, #tpu.memory_space<vmem>>
        %parallel_loop3A_385 = tpu.memref_squeeze %parallel_loop3A_384 : memref<1x32x512xf32, #tpu.memory_space<vmem>> -> memref<32x512xf32, #tpu.memory_space<vmem>>
        %parallel_loop3A_386 = arith.index_cast %parallel_loop3A_381 : i32 to index
        %parallel_loop3A_387 = arith.index_cast %parallel_loop3A_380 : i32 to index
        %parallel_loop3A_388 = tpu.vector_load %parallel_loop3A_385[%parallel_loop3A_386, %parallel_loop3A_387] {strides = array<i32>} : memref<32x512xf32, #tpu.memory_space<vmem>>, vector<16xf32>,
        tpu.vector_store %parallel_loop3A_385[%parallel_loop3A_386, %parallel_loop3A_387], %parallel_loop3A_378 {strides = array<i32>} : memref<32x512xf32, #tpu.memory_space<vmem>>, vector<16xf32>,
        %parallel_loop3A_389 = arith.constant 0 : i32
        %parallel_loop3A_390 = arith.constant 0 : i32
        %parallel_loop3A_391 = tpu.memref_slice %arg6[%rem3A_150, %parallel_loop3A_389, %parallel_loop3A_390] : memref<2x512x32xf32, #tpu.memory_space<vmem>> -> memref<1x512x32xf32, #tpu.memory_space<vmem>>
        %parallel_loop3A_392 = tpu.memref_squeeze %parallel_loop3A_391 : memref<1x512x32xf32, #tpu.memory_space<vmem>> -> memref<512x32xf32, #tpu.memory_space<vmem>>
        %parallel_loop3A_393 = tpu.vector_load_idx %parallel_loop3A_392[%parallel_loop3A_193, %broadcast_in_dim3A_29] : memref<512x32xf32, #tpu.memory_space<vmem>>[vector<16xi32>, vector<16xi32>], vector<16xf32>,
        %parallel_loop3A_394 = arith.constant 16 : i32
        %parallel_loop3A_395 = arith.muli %parallel_loop3A_189, %parallel_loop3A_394 : i32
        %parallel_loop3A_396 = arith.constant 13 : i32
        %parallel_loop3A_397 = arith.constant 0 : i32
        %parallel_loop3A_398 = arith.constant 0 : i32
        %parallel_loop3A_399 = tpu.memref_slice %arg7[%rem3A_150, %parallel_loop3A_397, %parallel_loop3A_398] : memref<2x32x512xf32, #tpu.memory_space<vmem>> -> memref<1x32x512xf32, #tpu.memory_space<vmem>>
        %parallel_loop3A_400 = tpu.memref_squeeze %parallel_loop3A_399 : memref<1x32x512xf32, #tpu.memory_space<vmem>> -> memref<32x512xf32, #tpu.memory_space<vmem>>
        %parallel_loop3A_401 = arith.index_cast %parallel_loop3A_396 : i32 to index
        %parallel_loop3A_402 = arith.index_cast %parallel_loop3A_395 : i32 to index
        %parallel_loop3A_403 = tpu.vector_load %parallel_loop3A_400[%parallel_loop3A_401, %parallel_loop3A_402] {strides = array<i32>} : memref<32x512xf32, #tpu.memory_space<vmem>>, vector<16xf32>,
        tpu.vector_store %parallel_loop3A_400[%parallel_loop3A_401, %parallel_loop3A_402], %parallel_loop3A_393 {strides = array<i32>} : memref<32x512xf32, #tpu.memory_space<vmem>>, vector<16xf32>,
        %parallel_loop3A_404 = arith.constant 0 : i32
        %parallel_loop3A_405 = arith.constant 0 : i32
        %parallel_loop3A_406 = tpu.memref_slice %arg6[%rem3A_150, %parallel_loop3A_404, %parallel_loop3A_405] : memref<2x512x32xf32, #tpu.memory_space<vmem>> -> memref<1x512x32xf32, #tpu.memory_space<vmem>>
        %parallel_loop3A_407 = tpu.memref_squeeze %parallel_loop3A_406 : memref<1x512x32xf32, #tpu.memory_space<vmem>> -> memref<512x32xf32, #tpu.memory_space<vmem>>
        %parallel_loop3A_408 = tpu.vector_load_idx %parallel_loop3A_407[%parallel_loop3A_193, %broadcast_in_dim3A_31] : memref<512x32xf32, #tpu.memory_space<vmem>>[vector<16xi32>, vector<16xi32>], vector<16xf32>,
        %parallel_loop3A_409 = arith.constant 16 : i32
        %parallel_loop3A_410 = arith.muli %parallel_loop3A_189, %parallel_loop3A_409 : i32
        %parallel_loop3A_411 = arith.constant 14 : i32
        %parallel_loop3A_412 = arith.constant 0 : i32
        %parallel_loop3A_413 = arith.constant 0 : i32
        %parallel_loop3A_414 = tpu.memref_slice %arg7[%rem3A_150, %parallel_loop3A_412, %parallel_loop3A_413] : memref<2x32x512xf32, #tpu.memory_space<vmem>> -> memref<1x32x512xf32, #tpu.memory_space<vmem>>
        %parallel_loop3A_415 = tpu.memref_squeeze %parallel_loop3A_414 : memref<1x32x512xf32, #tpu.memory_space<vmem>> -> memref<32x512xf32, #tpu.memory_space<vmem>>
        %parallel_loop3A_416 = arith.index_cast %parallel_loop3A_411 : i32 to index
        %parallel_loop3A_417 = arith.index_cast %parallel_loop3A_410 : i32 to index
        %parallel_loop3A_418 = tpu.vector_load %parallel_loop3A_415[%parallel_loop3A_416, %parallel_loop3A_417] {strides = array<i32>} : memref<32x512xf32, #tpu.memory_space<vmem>>, vector<16xf32>,
        tpu.vector_store %parallel_loop3A_415[%parallel_loop3A_416, %parallel_loop3A_417], %parallel_loop3A_408 {strides = array<i32>} : memref<32x512xf32, #tpu.memory_space<vmem>>, vector<16xf32>,
        %parallel_loop3A_419 = arith.constant 0 : i32
        %parallel_loop3A_420 = arith.constant 0 : i32
        %parallel_loop3A_421 = tpu.memref_slice %arg6[%rem3A_150, %parallel_loop3A_419, %parallel_loop3A_420] : memref<2x512x32xf32, #tpu.memory_space<vmem>> -> memref<1x512x32xf32, #tpu.memory_space<vmem>>
        %parallel_loop3A_422 = tpu.memref_squeeze %parallel_loop3A_421 : memref<1x512x32xf32, #tpu.memory_space<vmem>> -> memref<512x32xf32, #tpu.memory_space<vmem>>
        %parallel_loop3A_423 = tpu.vector_load_idx %parallel_loop3A_422[%parallel_loop3A_193, %broadcast_in_dim3A_33] : memref<512x32xf32, #tpu.memory_space<vmem>>[vector<16xi32>, vector<16xi32>], vector<16xf32>,
        %parallel_loop3A_424 = arith.constant 16 : i32
        %parallel_loop3A_425 = arith.muli %parallel_loop3A_189, %parallel_loop3A_424 : i32
        %parallel_loop3A_426 = arith.constant 15 : i32
        %parallel_loop3A_427 = arith.constant 0 : i32
        %parallel_loop3A_428 = arith.constant 0 : i32
        %parallel_loop3A_429 = tpu.memref_slice %arg7[%rem3A_150, %parallel_loop3A_427, %parallel_loop3A_428] : memref<2x32x512xf32, #tpu.memory_space<vmem>> -> memref<1x32x512xf32, #tpu.memory_space<vmem>>
        %parallel_loop3A_430 = tpu.memref_squeeze %parallel_loop3A_429 : memref<1x32x512xf32, #tpu.memory_space<vmem>> -> memref<32x512xf32, #tpu.memory_space<vmem>>
        %parallel_loop3A_431 = arith.index_cast %parallel_loop3A_426 : i32 to index
        %parallel_loop3A_432 = arith.index_cast %parallel_loop3A_425 : i32 to index
        %parallel_loop3A_433 = tpu.vector_load %parallel_loop3A_430[%parallel_loop3A_431, %parallel_loop3A_432] {strides = array<i32>} : memref<32x512xf32, #tpu.memory_space<vmem>>, vector<16xf32>,
        tpu.vector_store %parallel_loop3A_430[%parallel_loop3A_431, %parallel_loop3A_432], %parallel_loop3A_423 {strides = array<i32>} : memref<32x512xf32, #tpu.memory_space<vmem>>, vector<16xf32>,
        %parallel_loop3A_434 = arith.constant 0 : i32
        %parallel_loop3A_435 = arith.constant 0 : i32
        %parallel_loop3A_436 = tpu.memref_slice %arg6[%rem3A_150, %parallel_loop3A_434, %parallel_loop3A_435] : memref<2x512x32xf32, #tpu.memory_space<vmem>> -> memref<1x512x32xf32, #tpu.memory_space<vmem>>
        %parallel_loop3A_437 = tpu.memref_squeeze %parallel_loop3A_436 : memref<1x512x32xf32, #tpu.memory_space<vmem>> -> memref<512x32xf32, #tpu.memory_space<vmem>>
        %parallel_loop3A_438 = tpu.vector_load_idx %parallel_loop3A_437[%parallel_loop3A_193, %broadcast_in_dim3A_35] : memref<512x32xf32, #tpu.memory_space<vmem>>[vector<16xi32>, vector<16xi32>], vector<16xf32>,
        %parallel_loop3A_439 = arith.constant 16 : i32
        %parallel_loop3A_440 = arith.muli %parallel_loop3A_189, %parallel_loop3A_439 : i32
        %parallel_loop3A_441 = arith.constant 16 : i32
        %parallel_loop3A_442 = arith.constant 0 : i32
        %parallel_loop3A_443 = arith.constant 0 : i32
        %parallel_loop3A_444 = tpu.memref_slice %arg7[%rem3A_150, %parallel_loop3A_442, %parallel_loop3A_443] : memref<2x32x512xf32, #tpu.memory_space<vmem>> -> memref<1x32x512xf32, #tpu.memory_space<vmem>>
        %parallel_loop3A_445 = tpu.memref_squeeze %parallel_loop3A_444 : memref<1x32x512xf32, #tpu.memory_space<vmem>> -> memref<32x512xf32, #tpu.memory_space<vmem>>
        %parallel_loop3A_446 = arith.index_cast %parallel_loop3A_441 : i32 to index
        %parallel_loop3A_447 = arith.index_cast %parallel_loop3A_440 : i32 to index
        %parallel_loop3A_448 = tpu.vector_load %parallel_loop3A_445[%parallel_loop3A_446, %parallel_loop3A_447] {strides = array<i32>} : memref<32x512xf32, #tpu.memory_space<vmem>>, vector<16xf32>,
        tpu.vector_store %parallel_loop3A_445[%parallel_loop3A_446, %parallel_loop3A_447], %parallel_loop3A_438 {strides = array<i32>} : memref<32x512xf32, #tpu.memory_space<vmem>>, vector<16xf32>,
        %parallel_loop3A_449 = arith.constant 0 : i32
        %parallel_loop3A_450 = arith.constant 0 : i32
        %parallel_loop3A_451 = tpu.memref_slice %arg6[%rem3A_150, %parallel_loop3A_449, %parallel_loop3A_450] : memref<2x512x32xf32, #tpu.memory_space<vmem>> -> memref<1x512x32xf32, #tpu.memory_space<vmem>>
        %parallel_loop3A_452 = tpu.memref_squeeze %parallel_loop3A_451 : memref<1x512x32xf32, #tpu.memory_space<vmem>> -> memref<512x32xf32, #tpu.memory_space<vmem>>
        %parallel_loop3A_453 = tpu.vector_load_idx %parallel_loop3A_452[%parallel_loop3A_193, %broadcast_in_dim3A_37] : memref<512x32xf32, #tpu.memory_space<vmem>>[vector<16xi32>, vector<16xi32>], vector<16xf32>,
        %parallel_loop3A_454 = arith.constant 16 : i32
        %parallel_loop3A_455 = arith.muli %parallel_loop3A_189, %parallel_loop3A_454 : i32
        %parallel_loop3A_456 = arith.constant 17 : i32
        %parallel_loop3A_457 = arith.constant 0 : i32
        %parallel_loop3A_458 = arith.constant 0 : i32
        %parallel_loop3A_459 = tpu.memref_slice %arg7[%rem3A_150, %parallel_loop3A_457, %parallel_loop3A_458] : memref<2x32x512xf32, #tpu.memory_space<vmem>> -> memref<1x32x512xf32, #tpu.memory_space<vmem>>
        %parallel_loop3A_460 = tpu.memref_squeeze %parallel_loop3A_459 : memref<1x32x512xf32, #tpu.memory_space<vmem>> -> memref<32x512xf32, #tpu.memory_space<vmem>>
        %parallel_loop3A_461 = arith.index_cast %parallel_loop3A_456 : i32 to index
        %parallel_loop3A_462 = arith.index_cast %parallel_loop3A_455 : i32 to index
        %parallel_loop3A_463 = tpu.vector_load %parallel_loop3A_460[%parallel_loop3A_461, %parallel_loop3A_462] {strides = array<i32>} : memref<32x512xf32, #tpu.memory_space<vmem>>, vector<16xf32>,
        tpu.vector_store %parallel_loop3A_460[%parallel_loop3A_461, %parallel_loop3A_462], %parallel_loop3A_453 {strides = array<i32>} : memref<32x512xf32, #tpu.memory_space<vmem>>, vector<16xf32>,
        %parallel_loop3A_464 = arith.constant 0 : i32
        %parallel_loop3A_465 = arith.constant 0 : i32
        %parallel_loop3A_466 = tpu.memref_slice %arg6[%rem3A_150, %parallel_loop3A_464, %parallel_loop3A_465] : memref<2x512x32xf32, #tpu.memory_space<vmem>> -> memref<1x512x32xf32, #tpu.memory_space<vmem>>
        %parallel_loop3A_467 = tpu.memref_squeeze %parallel_loop3A_466 : memref<1x512x32xf32, #tpu.memory_space<vmem>> -> memref<512x32xf32, #tpu.memory_space<vmem>>
        %parallel_loop3A_468 = tpu.vector_load_idx %parallel_loop3A_467[%parallel_loop3A_193, %broadcast_in_dim3A_39] : memref<512x32xf32, #tpu.memory_space<vmem>>[vector<16xi32>, vector<16xi32>], vector<16xf32>,
        %parallel_loop3A_469 = arith.constant 16 : i32
        %parallel_loop3A_470 = arith.muli %parallel_loop3A_189, %parallel_loop3A_469 : i32
        %parallel_loop3A_471 = arith.constant 18 : i32
        %parallel_loop3A_472 = arith.constant 0 : i32
        %parallel_loop3A_473 = arith.constant 0 : i32
        %parallel_loop3A_474 = tpu.memref_slice %arg7[%rem3A_150, %parallel_loop3A_472, %parallel_loop3A_473] : memref<2x32x512xf32, #tpu.memory_space<vmem>> -> memref<1x32x512xf32, #tpu.memory_space<vmem>>
        %parallel_loop3A_475 = tpu.memref_squeeze %parallel_loop3A_474 : memref<1x32x512xf32, #tpu.memory_space<vmem>> -> memref<32x512xf32, #tpu.memory_space<vmem>>
        %parallel_loop3A_476 = arith.index_cast %parallel_loop3A_471 : i32 to index
        %parallel_loop3A_477 = arith.index_cast %parallel_loop3A_470 : i32 to index
        %parallel_loop3A_478 = tpu.vector_load %parallel_loop3A_475[%parallel_loop3A_476, %parallel_loop3A_477] {strides = array<i32>} : memref<32x512xf32, #tpu.memory_space<vmem>>, vector<16xf32>,
        tpu.vector_store %parallel_loop3A_475[%parallel_loop3A_476, %parallel_loop3A_477], %parallel_loop3A_468 {strides = array<i32>} : memref<32x512xf32, #tpu.memory_space<vmem>>, vector<16xf32>,
        %parallel_loop3A_479 = arith.constant 0 : i32
        %parallel_loop3A_480 = arith.constant 0 : i32
        %parallel_loop3A_481 = tpu.memref_slice %arg6[%rem3A_150, %parallel_loop3A_479, %parallel_loop3A_480] : memref<2x512x32xf32, #tpu.memory_space<vmem>> -> memref<1x512x32xf32, #tpu.memory_space<vmem>>
        %parallel_loop3A_482 = tpu.memref_squeeze %parallel_loop3A_481 : memref<1x512x32xf32, #tpu.memory_space<vmem>> -> memref<512x32xf32, #tpu.memory_space<vmem>>
        %parallel_loop3A_483 = tpu.vector_load_idx %parallel_loop3A_482[%parallel_loop3A_193, %broadcast_in_dim3A_41] : memref<512x32xf32, #tpu.memory_space<vmem>>[vector<16xi32>, vector<16xi32>], vector<16xf32>,
        %parallel_loop3A_484 = arith.constant 16 : i32
        %parallel_loop3A_485 = arith.muli %parallel_loop3A_189, %parallel_loop3A_484 : i32
        %parallel_loop3A_486 = arith.constant 19 : i32
        %parallel_loop3A_487 = arith.constant 0 : i32
        %parallel_loop3A_488 = arith.constant 0 : i32
        %parallel_loop3A_489 = tpu.memref_slice %arg7[%rem3A_150, %parallel_loop3A_487, %parallel_loop3A_488] : memref<2x32x512xf32, #tpu.memory_space<vmem>> -> memref<1x32x512xf32, #tpu.memory_space<vmem>>
        %parallel_loop3A_490 = tpu.memref_squeeze %parallel_loop3A_489 : memref<1x32x512xf32, #tpu.memory_space<vmem>> -> memref<32x512xf32, #tpu.memory_space<vmem>>
        %parallel_loop3A_491 = arith.index_cast %parallel_loop3A_486 : i32 to index
        %parallel_loop3A_492 = arith.index_cast %parallel_loop3A_485 : i32 to index
        %parallel_loop3A_493 = tpu.vector_load %parallel_loop3A_490[%parallel_loop3A_491, %parallel_loop3A_492] {strides = array<i32>} : memref<32x512xf32, #tpu.memory_space<vmem>>, vector<16xf32>,
        tpu.vector_store %parallel_loop3A_490[%parallel_loop3A_491, %parallel_loop3A_492], %parallel_loop3A_483 {strides = array<i32>} : memref<32x512xf32, #tpu.memory_space<vmem>>, vector<16xf32>,
        %parallel_loop3A_494 = arith.constant 0 : i32
        %parallel_loop3A_495 = arith.constant 0 : i32
        %parallel_loop3A_496 = tpu.memref_slice %arg6[%rem3A_150, %parallel_loop3A_494, %parallel_loop3A_495] : memref<2x512x32xf32, #tpu.memory_space<vmem>> -> memref<1x512x32xf32, #tpu.memory_space<vmem>>
        %parallel_loop3A_497 = tpu.memref_squeeze %parallel_loop3A_496 : memref<1x512x32xf32, #tpu.memory_space<vmem>> -> memref<512x32xf32, #tpu.memory_space<vmem>>
        %parallel_loop3A_498 = tpu.vector_load_idx %parallel_loop3A_497[%parallel_loop3A_193, %broadcast_in_dim3A_43] : memref<512x32xf32, #tpu.memory_space<vmem>>[vector<16xi32>, vector<16xi32>], vector<16xf32>,
        %parallel_loop3A_499 = arith.constant 16 : i32
        %parallel_loop3A_500 = arith.muli %parallel_loop3A_189, %parallel_loop3A_499 : i32
        %parallel_loop3A_501 = arith.constant 20 : i32
        %parallel_loop3A_502 = arith.constant 0 : i32
        %parallel_loop3A_503 = arith.constant 0 : i32
        %parallel_loop3A_504 = tpu.memref_slice %arg7[%rem3A_150, %parallel_loop3A_502, %parallel_loop3A_503] : memref<2x32x512xf32, #tpu.memory_space<vmem>> -> memref<1x32x512xf32, #tpu.memory_space<vmem>>
        %parallel_loop3A_505 = tpu.memref_squeeze %parallel_loop3A_504 : memref<1x32x512xf32, #tpu.memory_space<vmem>> -> memref<32x512xf32, #tpu.memory_space<vmem>>
        %parallel_loop3A_506 = arith.index_cast %parallel_loop3A_501 : i32 to index
        %parallel_loop3A_507 = arith.index_cast %parallel_loop3A_500 : i32 to index
        %parallel_loop3A_508 = tpu.vector_load %parallel_loop3A_505[%parallel_loop3A_506, %parallel_loop3A_507] {strides = array<i32>} : memref<32x512xf32, #tpu.memory_space<vmem>>, vector<16xf32>,
        tpu.vector_store %parallel_loop3A_505[%parallel_loop3A_506, %parallel_loop3A_507], %parallel_loop3A_498 {strides = array<i32>} : memref<32x512xf32, #tpu.memory_space<vmem>>, vector<16xf32>,
        %parallel_loop3A_509 = arith.constant 0 : i32
        %parallel_loop3A_510 = arith.constant 0 : i32
        %parallel_loop3A_511 = tpu.memref_slice %arg6[%rem3A_150, %parallel_loop3A_509, %parallel_loop3A_510] : memref<2x512x32xf32, #tpu.memory_space<vmem>> -> memref<1x512x32xf32, #tpu.memory_space<vmem>>
        %parallel_loop3A_512 = tpu.memref_squeeze %parallel_loop3A_511 : memref<1x512x32xf32, #tpu.memory_space<vmem>> -> memref<512x32xf32, #tpu.memory_space<vmem>>
        %parallel_loop3A_513 = tpu.vector_load_idx %parallel_loop3A_512[%parallel_loop3A_193, %broadcast_in_dim3A_45] : memref<512x32xf32, #tpu.memory_space<vmem>>[vector<16xi32>, vector<16xi32>], vector<16xf32>,
        %parallel_loop3A_514 = arith.constant 16 : i32
        %parallel_loop3A_515 = arith.muli %parallel_loop3A_189, %parallel_loop3A_514 : i32
        %parallel_loop3A_516 = arith.constant 21 : i32
        %parallel_loop3A_517 = arith.constant 0 : i32
        %parallel_loop3A_518 = arith.constant 0 : i32
        %parallel_loop3A_519 = tpu.memref_slice %arg7[%rem3A_150, %parallel_loop3A_517, %parallel_loop3A_518] : memref<2x32x512xf32, #tpu.memory_space<vmem>> -> memref<1x32x512xf32, #tpu.memory_space<vmem>>
        %parallel_loop3A_520 = tpu.memref_squeeze %parallel_loop3A_519 : memref<1x32x512xf32, #tpu.memory_space<vmem>> -> memref<32x512xf32, #tpu.memory_space<vmem>>
        %parallel_loop3A_521 = arith.index_cast %parallel_loop3A_516 : i32 to index
        %parallel_loop3A_522 = arith.index_cast %parallel_loop3A_515 : i32 to index
        %parallel_loop3A_523 = tpu.vector_load %parallel_loop3A_520[%parallel_loop3A_521, %parallel_loop3A_522] {strides = array<i32>} : memref<32x512xf32, #tpu.memory_space<vmem>>, vector<16xf32>,
        tpu.vector_store %parallel_loop3A_520[%parallel_loop3A_521, %parallel_loop3A_522], %parallel_loop3A_513 {strides = array<i32>} : memref<32x512xf32, #tpu.memory_space<vmem>>, vector<16xf32>,
        %parallel_loop3A_524 = arith.constant 0 : i32
        %parallel_loop3A_525 = arith.constant 0 : i32
        %parallel_loop3A_526 = tpu.memref_slice %arg6[%rem3A_150, %parallel_loop3A_524, %parallel_loop3A_525] : memref<2x512x32xf32, #tpu.memory_space<vmem>> -> memref<1x512x32xf32, #tpu.memory_space<vmem>>
        %parallel_loop3A_527 = tpu.memref_squeeze %parallel_loop3A_526 : memref<1x512x32xf32, #tpu.memory_space<vmem>> -> memref<512x32xf32, #tpu.memory_space<vmem>>
        %parallel_loop3A_528 = tpu.vector_load_idx %parallel_loop3A_527[%parallel_loop3A_193, %broadcast_in_dim3A_47] : memref<512x32xf32, #tpu.memory_space<vmem>>[vector<16xi32>, vector<16xi32>], vector<16xf32>,
        %parallel_loop3A_529 = arith.constant 16 : i32
        %parallel_loop3A_530 = arith.muli %parallel_loop3A_189, %parallel_loop3A_529 : i32
        %parallel_loop3A_531 = arith.constant 22 : i32
        %parallel_loop3A_532 = arith.constant 0 : i32
        %parallel_loop3A_533 = arith.constant 0 : i32
        %parallel_loop3A_534 = tpu.memref_slice %arg7[%rem3A_150, %parallel_loop3A_532, %parallel_loop3A_533] : memref<2x32x512xf32, #tpu.memory_space<vmem>> -> memref<1x32x512xf32, #tpu.memory_space<vmem>>
        %parallel_loop3A_535 = tpu.memref_squeeze %parallel_loop3A_534 : memref<1x32x512xf32, #tpu.memory_space<vmem>> -> memref<32x512xf32, #tpu.memory_space<vmem>>
        %parallel_loop3A_536 = arith.index_cast %parallel_loop3A_531 : i32 to index
        %parallel_loop3A_537 = arith.index_cast %parallel_loop3A_530 : i32 to index
        %parallel_loop3A_538 = tpu.vector_load %parallel_loop3A_535[%parallel_loop3A_536, %parallel_loop3A_537] {strides = array<i32>} : memref<32x512xf32, #tpu.memory_space<vmem>>, vector<16xf32>,
        tpu.vector_store %parallel_loop3A_535[%parallel_loop3A_536, %parallel_loop3A_537], %parallel_loop3A_528 {strides = array<i32>} : memref<32x512xf32, #tpu.memory_space<vmem>>, vector<16xf32>,
        %parallel_loop3A_539 = arith.constant 0 : i32
        %parallel_loop3A_540 = arith.constant 0 : i32
        %parallel_loop3A_541 = tpu.memref_slice %arg6[%rem3A_150, %parallel_loop3A_539, %parallel_loop3A_540] : memref<2x512x32xf32, #tpu.memory_space<vmem>> -> memref<1x512x32xf32, #tpu.memory_space<vmem>>
        %parallel_loop3A_542 = tpu.memref_squeeze %parallel_loop3A_541 : memref<1x512x32xf32, #tpu.memory_space<vmem>> -> memref<512x32xf32, #tpu.memory_space<vmem>>
        %parallel_loop3A_543 = tpu.vector_load_idx %parallel_loop3A_542[%parallel_loop3A_193, %broadcast_in_dim3A_49] : memref<512x32xf32, #tpu.memory_space<vmem>>[vector<16xi32>, vector<16xi32>], vector<16xf32>,
        %parallel_loop3A_544 = arith.constant 16 : i32
        %parallel_loop3A_545 = arith.muli %parallel_loop3A_189, %parallel_loop3A_544 : i32
        %parallel_loop3A_546 = arith.constant 23 : i32
        %parallel_loop3A_547 = arith.constant 0 : i32
        %parallel_loop3A_548 = arith.constant 0 : i32
        %parallel_loop3A_549 = tpu.memref_slice %arg7[%rem3A_150, %parallel_loop3A_547, %parallel_loop3A_548] : memref<2x32x512xf32, #tpu.memory_space<vmem>> -> memref<1x32x512xf32, #tpu.memory_space<vmem>>
        %parallel_loop3A_550 = tpu.memref_squeeze %parallel_loop3A_549 : memref<1x32x512xf32, #tpu.memory_space<vmem>> -> memref<32x512xf32, #tpu.memory_space<vmem>>
        %parallel_loop3A_551 = arith.index_cast %parallel_loop3A_546 : i32 to index
        %parallel_loop3A_552 = arith.index_cast %parallel_loop3A_545 : i32 to index
        %parallel_loop3A_553 = tpu.vector_load %parallel_loop3A_550[%parallel_loop3A_551, %parallel_loop3A_552] {strides = array<i32>} : memref<32x512xf32, #tpu.memory_space<vmem>>, vector<16xf32>,
        tpu.vector_store %parallel_loop3A_550[%parallel_loop3A_551, %parallel_loop3A_552], %parallel_loop3A_543 {strides = array<i32>} : memref<32x512xf32, #tpu.memory_space<vmem>>, vector<16xf32>,
        %parallel_loop3A_554 = arith.constant 0 : i32
        %parallel_loop3A_555 = arith.constant 0 : i32
        %parallel_loop3A_556 = tpu.memref_slice %arg6[%rem3A_150, %parallel_loop3A_554, %parallel_loop3A_555] : memref<2x512x32xf32, #tpu.memory_space<vmem>> -> memref<1x512x32xf32, #tpu.memory_space<vmem>>
        %parallel_loop3A_557 = tpu.memref_squeeze %parallel_loop3A_556 : memref<1x512x32xf32, #tpu.memory_space<vmem>> -> memref<512x32xf32, #tpu.memory_space<vmem>>
        %parallel_loop3A_558 = tpu.vector_load_idx %parallel_loop3A_557[%parallel_loop3A_193, %broadcast_in_dim3A_51] : memref<512x32xf32, #tpu.memory_space<vmem>>[vector<16xi32>, vector<16xi32>], vector<16xf32>,
        %parallel_loop3A_559 = arith.constant 16 : i32
        %parallel_loop3A_560 = arith.muli %parallel_loop3A_189, %parallel_loop3A_559 : i32
        %parallel_loop3A_561 = arith.constant 24 : i32
        %parallel_loop3A_562 = arith.constant 0 : i32
        %parallel_loop3A_563 = arith.constant 0 : i32
        %parallel_loop3A_564 = tpu.memref_slice %arg7[%rem3A_150, %parallel_loop3A_562, %parallel_loop3A_563] : memref<2x32x512xf32, #tpu.memory_space<vmem>> -> memref<1x32x512xf32, #tpu.memory_space<vmem>>
        %parallel_loop3A_565 = tpu.memref_squeeze %parallel_loop3A_564 : memref<1x32x512xf32, #tpu.memory_space<vmem>> -> memref<32x512xf32, #tpu.memory_space<vmem>>
        %parallel_loop3A_566 = arith.index_cast %parallel_loop3A_561 : i32 to index
        %parallel_loop3A_567 = arith.index_cast %parallel_loop3A_560 : i32 to index
        %parallel_loop3A_568 = tpu.vector_load %parallel_loop3A_565[%parallel_loop3A_566, %parallel_loop3A_567] {strides = array<i32>} : memref<32x512xf32, #tpu.memory_space<vmem>>, vector<16xf32>,
        tpu.vector_store %parallel_loop3A_565[%parallel_loop3A_566, %parallel_loop3A_567], %parallel_loop3A_558 {strides = array<i32>} : memref<32x512xf32, #tpu.memory_space<vmem>>, vector<16xf32>,
        %parallel_loop3A_569 = arith.constant 0 : i32
        %parallel_loop3A_570 = arith.constant 0 : i32
        %parallel_loop3A_571 = tpu.memref_slice %arg6[%rem3A_150, %parallel_loop3A_569, %parallel_loop3A_570] : memref<2x512x32xf32, #tpu.memory_space<vmem>> -> memref<1x512x32xf32, #tpu.memory_space<vmem>>
        %parallel_loop3A_572 = tpu.memref_squeeze %parallel_loop3A_571 : memref<1x512x32xf32, #tpu.memory_space<vmem>> -> memref<512x32xf32, #tpu.memory_space<vmem>>
        %parallel_loop3A_573 = tpu.vector_load_idx %parallel_loop3A_572[%parallel_loop3A_193, %broadcast_in_dim3A_53] : memref<512x32xf32, #tpu.memory_space<vmem>>[vector<16xi32>, vector<16xi32>], vector<16xf32>,
        %parallel_loop3A_574 = arith.constant 16 : i32
        %parallel_loop3A_575 = arith.muli %parallel_loop3A_189, %parallel_loop3A_574 : i32
        %parallel_loop3A_576 = arith.constant 25 : i32
        %parallel_loop3A_577 = arith.constant 0 : i32
        %parallel_loop3A_578 = arith.constant 0 : i32
        %parallel_loop3A_579 = tpu.memref_slice %arg7[%rem3A_150, %parallel_loop3A_577, %parallel_loop3A_578] : memref<2x32x512xf32, #tpu.memory_space<vmem>> -> memref<1x32x512xf32, #tpu.memory_space<vmem>>
        %parallel_loop3A_580 = tpu.memref_squeeze %parallel_loop3A_579 : memref<1x32x512xf32, #tpu.memory_space<vmem>> -> memref<32x512xf32, #tpu.memory_space<vmem>>
        %parallel_loop3A_581 = arith.index_cast %parallel_loop3A_576 : i32 to index
        %parallel_loop3A_582 = arith.index_cast %parallel_loop3A_575 : i32 to index
        %parallel_loop3A_583 = tpu.vector_load %parallel_loop3A_580[%parallel_loop3A_581, %parallel_loop3A_582] {strides = array<i32>} : memref<32x512xf32, #tpu.memory_space<vmem>>, vector<16xf32>,
        tpu.vector_store %parallel_loop3A_580[%parallel_loop3A_581, %parallel_loop3A_582], %parallel_loop3A_573 {strides = array<i32>} : memref<32x512xf32, #tpu.memory_space<vmem>>, vector<16xf32>,
        %parallel_loop3A_584 = arith.constant 0 : i32
        %parallel_loop3A_585 = arith.constant 0 : i32
        %parallel_loop3A_586 = tpu.memref_slice %arg6[%rem3A_150, %parallel_loop3A_584, %parallel_loop3A_585] : memref<2x512x32xf32, #tpu.memory_space<vmem>> -> memref<1x512x32xf32, #tpu.memory_space<vmem>>
        %parallel_loop3A_587 = tpu.memref_squeeze %parallel_loop3A_586 : memref<1x512x32xf32, #tpu.memory_space<vmem>> -> memref<512x32xf32, #tpu.memory_space<vmem>>
        %parallel_loop3A_588 = tpu.vector_load_idx %parallel_loop3A_587[%parallel_loop3A_193, %broadcast_in_dim3A_55] : memref<512x32xf32, #tpu.memory_space<vmem>>[vector<16xi32>, vector<16xi32>], vector<16xf32>,
        %parallel_loop3A_589 = arith.constant 16 : i32
        %parallel_loop3A_590 = arith.muli %parallel_loop3A_189, %parallel_loop3A_589 : i32
        %parallel_loop3A_591 = arith.constant 26 : i32
        %parallel_loop3A_592 = arith.constant 0 : i32
        %parallel_loop3A_593 = arith.constant 0 : i32
        %parallel_loop3A_594 = tpu.memref_slice %arg7[%rem3A_150, %parallel_loop3A_592, %parallel_loop3A_593] : memref<2x32x512xf32, #tpu.memory_space<vmem>> -> memref<1x32x512xf32, #tpu.memory_space<vmem>>
        %parallel_loop3A_595 = tpu.memref_squeeze %parallel_loop3A_594 : memref<1x32x512xf32, #tpu.memory_space<vmem>> -> memref<32x512xf32, #tpu.memory_space<vmem>>
        %parallel_loop3A_596 = arith.index_cast %parallel_loop3A_591 : i32 to index
        %parallel_loop3A_597 = arith.index_cast %parallel_loop3A_590 : i32 to index
        %parallel_loop3A_598 = tpu.vector_load %parallel_loop3A_595[%parallel_loop3A_596, %parallel_loop3A_597] {strides = array<i32>} : memref<32x512xf32, #tpu.memory_space<vmem>>, vector<16xf32>,
        tpu.vector_store %parallel_loop3A_595[%parallel_loop3A_596, %parallel_loop3A_597], %parallel_loop3A_588 {strides = array<i32>} : memref<32x512xf32, #tpu.memory_space<vmem>>, vector<16xf32>,
        %parallel_loop3A_599 = arith.constant 0 : i32
        %parallel_loop3A_600 = arith.constant 0 : i32
        %parallel_loop3A_601 = tpu.memref_slice %arg6[%rem3A_150, %parallel_loop3A_599, %parallel_loop3A_600] : memref<2x512x32xf32, #tpu.memory_space<vmem>> -> memref<1x512x32xf32, #tpu.memory_space<vmem>>
        %parallel_loop3A_602 = tpu.memref_squeeze %parallel_loop3A_601 : memref<1x512x32xf32, #tpu.memory_space<vmem>> -> memref<512x32xf32, #tpu.memory_space<vmem>>
        %parallel_loop3A_603 = tpu.vector_load_idx %parallel_loop3A_602[%parallel_loop3A_193, %broadcast_in_dim3A_57] : memref<512x32xf32, #tpu.memory_space<vmem>>[vector<16xi32>, vector<16xi32>], vector<16xf32>,
        %parallel_loop3A_604 = arith.constant 16 : i32
        %parallel_loop3A_605 = arith.muli %parallel_loop3A_189, %parallel_loop3A_604 : i32
        %parallel_loop3A_606 = arith.constant 27 : i32
        %parallel_loop3A_607 = arith.constant 0 : i32
        %parallel_loop3A_608 = arith.constant 0 : i32
        %parallel_loop3A_609 = tpu.memref_slice %arg7[%rem3A_150, %parallel_loop3A_607, %parallel_loop3A_608] : memref<2x32x512xf32, #tpu.memory_space<vmem>> -> memref<1x32x512xf32, #tpu.memory_space<vmem>>
        %parallel_loop3A_610 = tpu.memref_squeeze %parallel_loop3A_609 : memref<1x32x512xf32, #tpu.memory_space<vmem>> -> memref<32x512xf32, #tpu.memory_space<vmem>>
        %parallel_loop3A_611 = arith.index_cast %parallel_loop3A_606 : i32 to index
        %parallel_loop3A_612 = arith.index_cast %parallel_loop3A_605 : i32 to index
        %parallel_loop3A_613 = tpu.vector_load %parallel_loop3A_610[%parallel_loop3A_611, %parallel_loop3A_612] {strides = array<i32>} : memref<32x512xf32, #tpu.memory_space<vmem>>, vector<16xf32>,
        tpu.vector_store %parallel_loop3A_610[%parallel_loop3A_611, %parallel_loop3A_612], %parallel_loop3A_603 {strides = array<i32>} : memref<32x512xf32, #tpu.memory_space<vmem>>, vector<16xf32>,
        %parallel_loop3A_614 = arith.constant 0 : i32
        %parallel_loop3A_615 = arith.constant 0 : i32
        %parallel_loop3A_616 = tpu.memref_slice %arg6[%rem3A_150, %parallel_loop3A_614, %parallel_loop3A_615] : memref<2x512x32xf32, #tpu.memory_space<vmem>> -> memref<1x512x32xf32, #tpu.memory_space<vmem>>
        %parallel_loop3A_617 = tpu.memref_squeeze %parallel_loop3A_616 : memref<1x512x32xf32, #tpu.memory_space<vmem>> -> memref<512x32xf32, #tpu.memory_space<vmem>>
        %parallel_loop3A_618 = tpu.vector_load_idx %parallel_loop3A_617[%parallel_loop3A_193, %broadcast_in_dim3A_59] : memref<512x32xf32, #tpu.memory_space<vmem>>[vector<16xi32>, vector<16xi32>], vector<16xf32>,
        %parallel_loop3A_619 = arith.constant 16 : i32
        %parallel_loop3A_620 = arith.muli %parallel_loop3A_189, %parallel_loop3A_619 : i32
        %parallel_loop3A_621 = arith.constant 28 : i32
        %parallel_loop3A_622 = arith.constant 0 : i32
        %parallel_loop3A_623 = arith.constant 0 : i32
        %parallel_loop3A_624 = tpu.memref_slice %arg7[%rem3A_150, %parallel_loop3A_622, %parallel_loop3A_623] : memref<2x32x512xf32, #tpu.memory_space<vmem>> -> memref<1x32x512xf32, #tpu.memory_space<vmem>>
        %parallel_loop3A_625 = tpu.memref_squeeze %parallel_loop3A_624 : memref<1x32x512xf32, #tpu.memory_space<vmem>> -> memref<32x512xf32, #tpu.memory_space<vmem>>
        %parallel_loop3A_626 = arith.index_cast %parallel_loop3A_621 : i32 to index
        %parallel_loop3A_627 = arith.index_cast %parallel_loop3A_620 : i32 to index
        %parallel_loop3A_628 = tpu.vector_load %parallel_loop3A_625[%parallel_loop3A_626, %parallel_loop3A_627] {strides = array<i32>} : memref<32x512xf32, #tpu.memory_space<vmem>>, vector<16xf32>,
        tpu.vector_store %parallel_loop3A_625[%parallel_loop3A_626, %parallel_loop3A_627], %parallel_loop3A_618 {strides = array<i32>} : memref<32x512xf32, #tpu.memory_space<vmem>>, vector<16xf32>,
        %parallel_loop3A_629 = arith.constant 0 : i32
        %parallel_loop3A_630 = arith.constant 0 : i32
        %parallel_loop3A_631 = tpu.memref_slice %arg6[%rem3A_150, %parallel_loop3A_629, %parallel_loop3A_630] : memref<2x512x32xf32, #tpu.memory_space<vmem>> -> memref<1x512x32xf32, #tpu.memory_space<vmem>>
        %parallel_loop3A_632 = tpu.memref_squeeze %parallel_loop3A_631 : memref<1x512x32xf32, #tpu.memory_space<vmem>> -> memref<512x32xf32, #tpu.memory_space<vmem>>
        %parallel_loop3A_633 = tpu.vector_load_idx %parallel_loop3A_632[%parallel_loop3A_193, %broadcast_in_dim3A_61] : memref<512x32xf32, #tpu.memory_space<vmem>>[vector<16xi32>, vector<16xi32>], vector<16xf32>,
        %parallel_loop3A_634 = arith.constant 16 : i32
        %parallel_loop3A_635 = arith.muli %parallel_loop3A_189, %parallel_loop3A_634 : i32
        %parallel_loop3A_636 = arith.constant 29 : i32
        %parallel_loop3A_637 = arith.constant 0 : i32
        %parallel_loop3A_638 = arith.constant 0 : i32
        %parallel_loop3A_639 = tpu.memref_slice %arg7[%rem3A_150, %parallel_loop3A_637, %parallel_loop3A_638] : memref<2x32x512xf32, #tpu.memory_space<vmem>> -> memref<1x32x512xf32, #tpu.memory_space<vmem>>
        %parallel_loop3A_640 = tpu.memref_squeeze %parallel_loop3A_639 : memref<1x32x512xf32, #tpu.memory_space<vmem>> -> memref<32x512xf32, #tpu.memory_space<vmem>>
        %parallel_loop3A_641 = arith.index_cast %parallel_loop3A_636 : i32 to index
        %parallel_loop3A_642 = arith.index_cast %parallel_loop3A_635 : i32 to index
        %parallel_loop3A_643 = tpu.vector_load %parallel_loop3A_640[%parallel_loop3A_641, %parallel_loop3A_642] {strides = array<i32>} : memref<32x512xf32, #tpu.memory_space<vmem>>, vector<16xf32>,
        tpu.vector_store %parallel_loop3A_640[%parallel_loop3A_641, %parallel_loop3A_642], %parallel_loop3A_633 {strides = array<i32>} : memref<32x512xf32, #tpu.memory_space<vmem>>, vector<16xf32>,
        %parallel_loop3A_644 = arith.constant 0 : i32
        %parallel_loop3A_645 = arith.constant 0 : i32
        %parallel_loop3A_646 = tpu.memref_slice %arg6[%rem3A_150, %parallel_loop3A_644, %parallel_loop3A_645] : memref<2x512x32xf32, #tpu.memory_space<vmem>> -> memref<1x512x32xf32, #tpu.memory_space<vmem>>
        %parallel_loop3A_647 = tpu.memref_squeeze %parallel_loop3A_646 : memref<1x512x32xf32, #tpu.memory_space<vmem>> -> memref<512x32xf32, #tpu.memory_space<vmem>>
        %parallel_loop3A_648 = tpu.vector_load_idx %parallel_loop3A_647[%parallel_loop3A_193, %broadcast_in_dim3A_63] : memref<512x32xf32, #tpu.memory_space<vmem>>[vector<16xi32>, vector<16xi32>], vector<16xf32>,
        %parallel_loop3A_649 = arith.constant 16 : i32
        %parallel_loop3A_650 = arith.muli %parallel_loop3A_189, %parallel_loop3A_649 : i32
        %parallel_loop3A_651 = arith.constant 30 : i32
        %parallel_loop3A_652 = arith.constant 0 : i32
        %parallel_loop3A_653 = arith.constant 0 : i32
        %parallel_loop3A_654 = tpu.memref_slice %arg7[%rem3A_150, %parallel_loop3A_652, %parallel_loop3A_653] : memref<2x32x512xf32, #tpu.memory_space<vmem>> -> memref<1x32x512xf32, #tpu.memory_space<vmem>>
        %parallel_loop3A_655 = tpu.memref_squeeze %parallel_loop3A_654 : memref<1x32x512xf32, #tpu.memory_space<vmem>> -> memref<32x512xf32, #tpu.memory_space<vmem>>
        %parallel_loop3A_656 = arith.index_cast %parallel_loop3A_651 : i32 to index
        %parallel_loop3A_657 = arith.index_cast %parallel_loop3A_650 : i32 to index
        %parallel_loop3A_658 = tpu.vector_load %parallel_loop3A_655[%parallel_loop3A_656, %parallel_loop3A_657] {strides = array<i32>} : memref<32x512xf32, #tpu.memory_space<vmem>>, vector<16xf32>,
        tpu.vector_store %parallel_loop3A_655[%parallel_loop3A_656, %parallel_loop3A_657], %parallel_loop3A_648 {strides = array<i32>} : memref<32x512xf32, #tpu.memory_space<vmem>>, vector<16xf32>,
        %parallel_loop3A_659 = arith.constant 0 : i32
        %parallel_loop3A_660 = arith.constant 0 : i32
        %parallel_loop3A_661 = tpu.memref_slice %arg6[%rem3A_150, %parallel_loop3A_659, %parallel_loop3A_660] : memref<2x512x32xf32, #tpu.memory_space<vmem>> -> memref<1x512x32xf32, #tpu.memory_space<vmem>>
        %parallel_loop3A_662 = tpu.memref_squeeze %parallel_loop3A_661 : memref<1x512x32xf32, #tpu.memory_space<vmem>> -> memref<512x32xf32, #tpu.memory_space<vmem>>
        %parallel_loop3A_663 = tpu.vector_load_idx %parallel_loop3A_662[%parallel_loop3A_193, %broadcast_in_dim3A_65] : memref<512x32xf32, #tpu.memory_space<vmem>>[vector<16xi32>, vector<16xi32>], vector<16xf32>,
        %parallel_loop3A_664 = arith.constant 16 : i32
        %parallel_loop3A_665 = arith.muli %parallel_loop3A_189, %parallel_loop3A_664 : i32
        %parallel_loop3A_666 = arith.constant 31 : i32
        %parallel_loop3A_667 = arith.constant 0 : i32
        %parallel_loop3A_668 = arith.constant 0 : i32
        %parallel_loop3A_669 = tpu.memref_slice %arg7[%rem3A_150, %parallel_loop3A_667, %parallel_loop3A_668] : memref<2x32x512xf32, #tpu.memory_space<vmem>> -> memref<1x32x512xf32, #tpu.memory_space<vmem>>
        %parallel_loop3A_670 = tpu.memref_squeeze %parallel_loop3A_669 : memref<1x32x512xf32, #tpu.memory_space<vmem>> -> memref<32x512xf32, #tpu.memory_space<vmem>>
        %parallel_loop3A_671 = arith.index_cast %parallel_loop3A_666 : i32 to index
        %parallel_loop3A_672 = arith.index_cast %parallel_loop3A_665 : i32 to index
        %parallel_loop3A_673 = tpu.vector_load %parallel_loop3A_670[%parallel_loop3A_671, %parallel_loop3A_672] {strides = array<i32>} : memref<32x512xf32, #tpu.memory_space<vmem>>, vector<16xf32>,
        tpu.vector_store %parallel_loop3A_670[%parallel_loop3A_671, %parallel_loop3A_672], %parallel_loop3A_663 {strides = array<i32>} : memref<32x512xf32, #tpu.memory_space<vmem>>, vector<16xf32>,
      } {sc.loop_unroll_factor = 4 : i64, sc.parallel_access}
      %dma_start3A_175 = arith.constant 0 : i32
      %dma_start3A_176 = arith.constant 0 : i32
      %dma_start3A_177 = tpu.memref_slice %arg7[%rem3A_150, %dma_start3A_175, %dma_start3A_176] : memref<2x32x512xf32, #tpu.memory_space<vmem>> -> memref<1x32x512xf32, #tpu.memory_space<vmem>>
      %dma_start3A_178 = tpu.memref_squeeze %dma_start3A_177 : memref<1x32x512xf32, #tpu.memory_space<vmem>> -> memref<32x512xf32, #tpu.memory_space<vmem>>
      %dma_start3A_179 = arith.constant 0 : i32
      %dma_start3A_180 = tpu.memref_slice %arg4[%scan3A_149, %dma_start3A_179, %mul3A_2] : memref<50x32x16384xf32, #tpu.memory_space<hbm>> -> memref<1x32x512xf32, #tpu.memory_space<hbm>>
      %dma_start3A_181 = tpu.memref_squeeze %dma_start3A_180 : memref<1x32x512xf32, #tpu.memory_space<hbm>> -> memref<32x512xf32, #tpu.memory_space<hbm>>
      %dma_start3A_182 = arith.constant 0 : i32
      %dma_start3A_183 = tpu.memref_slice %arg4[%scan3A_149, %dma_start3A_182, %mul3A_2] : memref<50x32x16384xf32, #tpu.memory_space<hbm>> -> memref<1x32x512xf32, #tpu.memory_space<hbm>>
      %dma_start3A_184 = tpu.memref_squeeze %dma_start3A_183 : memref<1x32x512xf32, #tpu.memory_space<hbm>> -> memref<32x512xf32, #tpu.memory_space<hbm>>
      %dma_start3A_185 = arith.constant 0 : i32
      %dma_start3A_186 = arith.constant 0 : i32
      %dma_start3A_187 = tpu.memref_slice %arg7[%rem3A_150, %dma_start3A_185, %dma_start3A_186] : memref<2x32x512xf32, #tpu.memory_space<vmem>> -> memref<1x32x512xf32, #tpu.memory_space<vmem>>
      %dma_start3A_188 = tpu.memref_squeeze %dma_start3A_187 : memref<1x32x512xf32, #tpu.memory_space<vmem>> -> memref<32x512xf32, #tpu.memory_space<vmem>>
      tpu.enqueue_dma source(%dma_start3A_188 : memref<32x512xf32, #tpu.memory_space<vmem>>) target(%dma_start3A_184 : memref<32x512xf32, #tpu.memory_space<hbm>>) target_semaphore(%arg10 : memref<!tpu.dma_semaphore, #tpu.memory_space<semaphore_mem>>)
    }
    %scan3A_116 = arith.constant 50 : i32
    %dma_wait3A_117 = arith.constant 0 : i32
    %dma_wait3A_118 = arith.constant 48 : i32
    %dma_wait3A_119 = arith.constant 0 : i32
    %dma_wait3A_120 = arith.constant 0 : i32
    %dma_wait3A_121 = tpu.memref_slice %arg7[%dma_wait3A_117, %dma_wait3A_119, %dma_wait3A_120] : memref<2x32x512xf32, #tpu.memory_space<vmem>> -> memref<1x32x512xf32, #tpu.memory_space<vmem>>
    %dma_wait3A_122 = tpu.memref_squeeze %dma_wait3A_121 : memref<1x32x512xf32, #tpu.memory_space<vmem>> -> memref<32x512xf32, #tpu.memory_space<vmem>>
    %dma_wait3A_123 = arith.constant 0 : i32
    %dma_wait3A_124 = tpu.memref_slice %arg4[%dma_wait3A_118, %dma_wait3A_123, %mul3A_2] : memref<50x32x16384xf32, #tpu.memory_space<hbm>> -> memref<1x32x512xf32, #tpu.memory_space<hbm>>
    %dma_wait3A_125 = tpu.memref_squeeze %dma_wait3A_124 : memref<1x32x512xf32, #tpu.memory_space<hbm>> -> memref<32x512xf32, #tpu.memory_space<hbm>>
    %dma_wait3A_126 = arith.constant 0 : i32
    %dma_wait3A_127 = tpu.memref_slice %arg4[%dma_wait3A_118, %dma_wait3A_126, %mul3A_2] : memref<50x32x16384xf32, #tpu.memory_space<hbm>> -> memref<1x32x512xf32, #tpu.memory_space<hbm>>
    %dma_wait3A_128 = tpu.memref_squeeze %dma_wait3A_127 : memref<1x32x512xf32, #tpu.memory_space<hbm>> -> memref<32x512xf32, #tpu.memory_space<hbm>>
    %dma_wait3A_129 = arith.constant 0 : i32
    %dma_wait3A_130 = arith.constant 0 : i32
    %dma_wait3A_131 = tpu.memref_slice %arg7[%dma_wait3A_117, %dma_wait3A_129, %dma_wait3A_130] : memref<2x32x512xf32, #tpu.memory_space<vmem>> -> memref<1x32x512xf32, #tpu.memory_space<vmem>>
    %dma_wait3A_132 = tpu.memref_squeeze %dma_wait3A_131 : memref<1x32x512xf32, #tpu.memory_space<vmem>> -> memref<32x512xf32, #tpu.memory_space<vmem>>
    tpu.wait_dma2 semaphore(%arg10 : memref<!tpu.dma_semaphore, #tpu.memory_space<semaphore_mem>>) src(%dma_wait3A_132 : memref<32x512xf32, #tpu.memory_space<vmem>>) dst(%dma_wait3A_128 : memref<32x512xf32, #tpu.memory_space<hbm>>)
    %dma_wait3A_133 = arith.constant 1 : i32
    %dma_wait3A_134 = arith.constant 49 : i32
    %dma_wait3A_135 = arith.constant 0 : i32
    %dma_wait3A_136 = arith.constant 0 : i32
    %dma_wait3A_137 = tpu.memref_slice %arg7[%dma_wait3A_133, %dma_wait3A_135, %dma_wait3A_136] : memref<2x32x512xf32, #tpu.memory_space<vmem>> -> memref<1x32x512xf32, #tpu.memory_space<vmem>>
    %dma_wait3A_138 = tpu.memref_squeeze %dma_wait3A_137 : memref<1x32x512xf32, #tpu.memory_space<vmem>> -> memref<32x512xf32, #tpu.memory_space<vmem>>
    %dma_wait3A_139 = arith.constant 0 : i32
    %dma_wait3A_140 = tpu.memref_slice %arg4[%dma_wait3A_134, %dma_wait3A_139, %mul3A_2] : memref<50x32x16384xf32, #tpu.memory_space<hbm>> -> memref<1x32x512xf32, #tpu.memory_space<hbm>>
    %dma_wait3A_141 = tpu.memref_squeeze %dma_wait3A_140 : memref<1x32x512xf32, #tpu.memory_space<hbm>> -> memref<32x512xf32, #tpu.memory_space<hbm>>
    %dma_wait3A_142 = arith.constant 0 : i32
    %dma_wait3A_143 = tpu.memref_slice %arg4[%dma_wait3A_134, %dma_wait3A_142, %mul3A_2] : memref<50x32x16384xf32, #tpu.memory_space<hbm>> -> memref<1x32x512xf32, #tpu.memory_space<hbm>>
    %dma_wait3A_144 = tpu.memref_squeeze %dma_wait3A_143 : memref<1x32x512xf32, #tpu.memory_space<hbm>> -> memref<32x512xf32, #tpu.memory_space<hbm>>
    %dma_wait3A_145 = arith.constant 0 : i32
    %dma_wait3A_146 = arith.constant 0 : i32
    %dma_wait3A_147 = tpu.memref_slice %arg7[%dma_wait3A_133, %dma_wait3A_145, %dma_wait3A_146] : memref<2x32x512xf32, #tpu.memory_space<vmem>> -> memref<1x32x512xf32, #tpu.memory_space<vmem>>
    %dma_wait3A_148 = tpu.memref_squeeze %dma_wait3A_147 : memref<1x32x512xf32, #tpu.memory_space<vmem>> -> memref<32x512xf32, #tpu.memory_space<vmem>>
    tpu.wait_dma2 semaphore(%arg10 : memref<!tpu.dma_semaphore, #tpu.memory_space<semaphore_mem>>) src(%dma_wait3A_148 : memref<32x512xf32, #tpu.memory_space<vmem>>) dst(%dma_wait3A_144 : memref<32x512xf32, #tpu.memory_space<hbm>>)
    return
  }
}

</mosaic_0001>

<sc_bundles>
// kernel: kernel.3.cloned.1.call-start
scs
__scs_entry_jumppad:
0x0: {  	(pc) =	sbr.rel $0x88, $3  }
0x1: {  	(tag) =	ssettag $0x0;
	lr =	simm.s32 $0x1  }
0x2: {  	[smem:$0x3F9F] =	sst lr;
	_ =	strace $0xD0000000  }
0x3: {  	_ = 	snop  }
0x4: {  	_ = 	snop  }
0x5: {  	_ = 	snop  }
0x6: {  	_ = 	snop  }
0x7: {  	_ = 	snop  }
__scs_overlays_trampoline_lowered:
0x8: {  	[smem:$0x3FAE] =	sst s0  }
0x9: {  	[smem:$0x3FAF] =	sst s1  }
0xa: {  	[smem:$0x3FB0] =	sst s2  }
0xb: {  	[smem:$0x3FB1] =	sst s3  }
0xc: {  	[smem:$0x3FB2] =	sst s4  }
0xd: {  	[smem:$0x3FB3] =	sst s5  }
0xe: {  	[smem:$0x3FB4] =	sst s6  }
0xf: {  	[smem:$0x3FB5] =	sst s7  }
0x10: {  	[smem:$0x3FB6] =	sst s8  }
0x11: {  	[smem:$0x3FB7] =	sst s9;
	s0 =	simm.s32 @!p0 $0x0  }
0x12: {  	s1 =	sld [smem:$0x3F9D];
	s0 =	simm.s32 @p0 $0x1  }
0x13: {  	[smem:$0x3FB8] =	sst s0;
	s0 =	simm.s32 @!p1 $0x0  }
0x14: {  	s2 =	sld [smem:$0x3F9C];
	s0 =	simm.s32 @p1 $0x1  }
0x15: {  	[smem:$0x3FB9] =	sst s0;
	s0 =	simm.s32 @!p2 $0x0  }
0x16: {  	s3 =	sld [smem:$0x3FDB];
	s0 =	simm.s32 @p2 $0x1  }
0x17: {  	s4 =	simm.s32 $0x1BF5;
	[smem:$0x3FBB] =	sst s0  }
0x18: {  	s0 =	sld [smem:$0x3F9E];
	_ =	swait.ge [sflag:s4], $0x0  }
0x19: {  	s7 =	sld [smem:$0x3F9F]  }
0x1a: {  	s8 =	sadd.s32 $0xFFFFE003, lr  }
0x1b: {  	s9 =	sadd.s32 $0xFFFFFEF7, lr;
	s5 =	simm.s32 $0xFFFFFFFF;
	p2 =	slt.u32 s8, $0xFFFFF086  }
0x1c: {  	p1 =	slt.u32 s9, $0xF7A;
	s5 =	simm.s32 @!p2 $0x0  }
0x1d: {  	s5 =	simm.s32 @p1 $0x1;
	p0 =	seq.s32 s7, s2  }
0x1e: {  	s7 =	smul.u32 @!p0 $0xF7A, s2;
	p2 =	seq.s32 @!p0 s5, $0x0  }
0x1f: {  	s9 =	smul.u32 $0xF7A, s1;
	s8 =	simm.s32 @!p0 $0x1BF5;
	p2 =	por !p2, p0  }
0x20: {  	[sflag:s8] =	ssyncset.s32 @!p0 $0xFFFFF086;
	s6 =	sadd.s32 @!p0 s3, s7;
	s7 =	simm.s32 @!p0 $0x108  }
0x21: {  	s3 =	sadd.s32 s3, s9;
	s6 =	sadd.s32 @!p0 $0x88, s6;
	s7 =	simm.s32 @p2 $0x1082  }
0x22: {  	[simem:s7], [sflag:s8] =	dma.local @!p0 [hbm:s6], $0xF7A  }
0x23: {  	s9 =	sor.u32 $0xD0000000, s2;
	s6 =	simm.s32 $0x108;
	_ =	swait.ge @!p0 [sflag:s8], $0x0  }
0x24: {  	s3 =	sadd.s32 $0x88, s3;
	s6 =	simm.s32 @!p1 $0x1082;
	[sflag:s4] =	ssyncset.s32 $0xFFFFF086  }
0x25: {  	[simem:s6], [sflag:s4] =	dma.local [hbm:s3], $0xF7A  }
0x26: {  	[smem:$0x3F9F] =	sst s1;
	(tag) =	ssettag s2;
	_ =	strace s9  }
0x27: {  	s1 =	sld [smem:$0x3FAF]  }
0x28: {  	s2 =	sld [smem:$0x3FB0]  }
0x29: {  	s4 =	sld [smem:$0x3FB2]  }
0x2a: {  	p0 =	seq.s32 s5, $0x0;
	s5 =	sld [smem:$0x3FB3]  }
0x2b: {  	s6 =	sld [smem:$0x3FB4]  }
0x2c: {  	s7 =	sld [smem:$0x3FB5]  }
0x2d: {  	s3 =	simm.s32 $0x108;
	s8 =	sld [smem:$0x3FB6]  }
0x2e: {  	s3 =	simm.s32 @!p0 $0x1082;
	s9 =	sld [smem:$0x3FB7]  }
0x2f: {  	lr =	sadd.s32 s0, s3;
	s0 =	sld [smem:$0x3FAE]  }
0x30: {  	s3 =	sld [smem:$0x3FB1]  }
0x31: {  	[smem:$0x3FBA] =	sst s10  }
0x32: {  	s10 =	sld [smem:$0x3FB8];
	_ =	sdelay $0x3  }
0x33: {  	p0 =	seq.s32 s10, $0x1;
	s10 =	sld [smem:$0x3FBA];
	_ =	sdelay $0x3  }
0x34: {  	[smem:$0x3FBA] =	sst s10  }
0x35: {  	s10 =	sld [smem:$0x3FB9];
	_ =	sdelay $0x3  }
0x36: {  	p1 =	seq.s32 s10, $0x1;
	s10 =	sld [smem:$0x3FBA];
	_ =	sdelay $0x3  }
0x37: {  	[smem:$0x3FBA] =	sst s10  }
0x38: {  	s10 =	sld [smem:$0x3FBB]  }
0x39: {  	_ = 	snop;
	(pc) =	sbr.ind lr, $3  }
0x3a: {  	_ = 	snop  }
0x3b: {  	_ = 	snop  }
0x3c: {  	p2 =	seq.s32 s10, $0x1;
	s10 =	sld [smem:$0x3FBA]  }
0x3d: {  	_ =	shalt  }
0x3e: {  	_ =	shalt  }
0x3f: {  	_ =	shalt  }
0x40: {  	_ =	shalt  }
0x41: {  	_ =	shalt  }
0x42: {  	_ =	shalt  }
0x43: {  	_ =	shalt  }
0x44: {  	_ =	shalt  }
0x45: {  	_ =	shalt  }
0x46: {  	_ =	shalt  }
0x47: {  	_ =	shalt  }
0x48: {  	_ =	shalt  }
0x49: {  	_ =	shalt  }
0x4a: {  	_ =	shalt  }
0x4b: {  	_ =	shalt  }
0x4c: {  	_ =	shalt  }
0x4d: {  	_ =	shalt  }
0x4e: {  	_ =	shalt  }
0x4f: {  	_ =	shalt  }
0x50: {  	_ =	shalt  }
0x51: {  	_ =	shalt  }
0x52: {  	_ =	shalt  }
0x53: {  	_ =	shalt  }
0x54: {  	_ =	shalt  }
0x55: {  	_ =	shalt  }
0x56: {  	_ =	shalt  }
0x57: {  	_ =	shalt  }
0x58: {  	_ =	shalt  }
0x59: {  	_ =	shalt  }
0x5a: {  	_ =	shalt  }
0x5b: {  	_ =	shalt  }
0x5c: {  	_ =	shalt  }
0x5d: {  	_ =	shalt  }
0x5e: {  	_ =	shalt  }
0x5f: {  	_ =	shalt  }
0x60: {  	_ =	shalt  }
0x61: {  	_ =	shalt  }
0x62: {  	_ =	shalt  }
0x63: {  	_ =	shalt  }
0x64: {  	_ =	shalt  }
0x65: {  	_ =	shalt  }
0x66: {  	_ =	shalt  }
0x67: {  	_ =	shalt  }
0x68: {  	_ =	shalt  }
0x69: {  	_ =	shalt  }
0x6a: {  	_ =	shalt  }
0x6b: {  	_ =	shalt  }
0x6c: {  	_ =	shalt  }
0x6d: {  	_ =	shalt  }
0x6e: {  	_ =	shalt  }
0x6f: {  	_ =	shalt  }
0x70: {  	_ =	shalt  }
0x71: {  	_ =	shalt  }
0x72: {  	_ =	shalt  }
0x73: {  	_ =	shalt  }
0x74: {  	_ =	shalt  }
0x75: {  	_ =	shalt  }
0x76: {  	_ =	shalt  }
0x77: {  	_ =	shalt  }
0x78: {  	_ =	shalt  }
0x79: {  	_ =	shalt  }
0x7a: {  	_ =	shalt  }
0x7b: {  	_ =	shalt  }
0x7c: {  	_ =	shalt  }
0x7d: {  	_ =	shalt  }
0x7e: {  	_ =	shalt  }
0x7f: {  	_ =	shalt  }
0x80: {  	_ =	shalt  }
0x81: {  	_ =	shalt  }
0x82: {  	_ =	shalt  }
0x83: {  	_ =	shalt  }
0x84: {  	_ =	shalt  }
0x85: {  	_ =	shalt  }
0x86: {  	_ =	shalt  }
0x87: {  	_ =	shalt  }
.Lfunc_end0:
.L_simem_size_0:
called_computation_lowered:
.L_overlay_start_0:
0x88: {  	s2 =	sld [smem:$0x3FD9]  }
0x89: {  	s3 =	sld [smem:$0x3FFE];
	_ =	sdelay $0x1  }
0x8a: {  	s1 =	srdreg.scid  }
0x8b: {  	s0 =	sand.u32 $0x1, s1  }
0x8c: {  	s17 =	sshll.u32 s0, $0xA;
	s2 =	sadd.s32 s3, s2  }
0x8d: {  	s2 =	sadd.s32 s2, s17  }
0x8e: {  	[smem:$0x3FC6] =	sst s2  }
0x8f: {  	_ = 	snop  }
0x90: {  	s2 =	sld [smem:$0x3FD0];
	(tm) =	ssettm $0x1  }
0x91: {  	s18 =	sld [smem:$0x3FFB];
	_ =	sdelay $0x3  }
0x92: {  	_ =	strace s18  }
0x93: {  	s3 =	sld [smem:$0x3FFC];
	_ =	sdelay $0x3  }
0x94: {  	_ =	strace s3  }
0x95: {  	s3 =	sld [smem:$0x3FFD];
	_ =	sdelay $0x3  }
0x96: {  	_ =	strace s3  }
0x97: {  	_ =	strace $0x8FFFFFFF  }
0x98: {  	s19 =	sld [smem:$0x3FDB];
	_ =	sdelay $0x1  }
0x99: {  	s4 =	simm.s32 $_scs_section_size  }
0x9a: {  	s5 =	simm.s32 $_size__tile_overlayer_lowered;
	s6 =	simm.s32 $_tile_overlayer_lowered  }
0x9b: {  	s22 =	simm.s32 $0x1BFF;
	s21 =	sshll.u32 s6, $0x1;
	s3 =	sadd.s32 s4, s19  }
0x9c: {  	s7 =	simm.s32 $0x0;
	s20 =	sshll.u32 s5, $0x1;
	s5 =	sadd.s32 s21, s3  }
0x9d: {  	[timem:s7], [sflag:s22] =	dma.local [hbm:s5], s20  }
0x9e: {  	_ =	swait.ge [sflag:s22], s20  }
0x9f: {  	s4 =	ssub.s32 $0x0, s20;
	[sflag:s22] =	ssyncset.done $0x0  }
0xa0: {  	[sflag:s22] =	ssyncadd.s32 s4;
	_ =	sdelay $0x1  }
0xa1: {  	s23 =	simm.s32 $0x1B8B  }
0xa2: {  	_ =	swait.ge [sflag:s23], $0x1  }
0xa3: {  	[sflag:s23] =	ssyncset.done $0x0  }
0xa4: {  	s25 =	simm.s32 $0x1B8E;
	s24 =	sld [smem:$0x3FFE];
	[sflag:s23] =	ssyncadd.s32 $0xFFFFFFFF  }
0xa5: {  	s26 =	simm.s32 $execute0_lowered;
	[smem:$0x3FD2] =	sst s25  }
0xa6: {  	s5 =	sshll.u32 s26, $0x1;
	_ =	strace $0x80000046;
	[dreg:$0x1] =	wrdreg $0xFFFFFFFF  }
0xa7: {  	s28 =	simm.s32 $_size_execute0_lowered;
	s3 =	sadd.s32 s3, s5;
	[dreg:$0x0] =	wrdreg $0x0  }
0xa8: {  	s5 =	sshll.u32 s28, $0x1;
	[dreg:$0x2] =	wrdreg s3  }
0xa9: {  	[dreg:$0x3] =	wrdreg s5  }
0xaa: {  	[dreg:$0x4] =	wrdreg $0xC0  }
0xab: {  	_ =	task [dreg:s7], $0x5FFFF  }
0xac: {  	[dreg:$0x1] =	wrdreg $0xFFFFFFFF  }
0xad: {  	[dreg:$0x0] =	wrdreg $0x60  }
0xae: {  	[dreg:$0x2] =	wrdreg s24  }
0xaf: {  	[dreg:$0x3] =	wrdreg s2  }
0xb0: {  	[dreg:$0x4] =	wrdreg $0x9  }
0xb1: {  	_ =	task.clear_ibuf [dreg:s7], $0x5FFFF;
	_ =	strace $0x90000046  }
0xb2: {  	s29 =	simm.s32 $0x9;
	_ =	strace $0x80000048  }
0xb3: {  	_ =	swait.ge [sflag:s29], $0x1  }
0xb4: {  	[sflag:s29] =	ssyncadd.s32 $0xFFFFFFFF  }
0xb5: {  	_ =	strace $0x90000048  }
0xb6: {  	_ =	sfence  }
0xb7: {  	s30 =	sld [smem:$0x0];
	_ =	sdelay $0x2  }
0xb8: {  	s31 =	sshll.u32 s1, $0xD;
	s1 =	sshrl.u32 s1, $0x2  }
0xb9: {  	s3 =	sand.u32 $0x4000, s31;
	s1 =	sadd.s32 s1, s30  }
0xba: {  	s0 =	sor.u32 s3, s0;
	s1 =	sshll.u32 s1, $0x11  }
0xbb: {  	s0 =	sor.u32 s1, s0  }
0xbc: {  	s0 =	sadd.s32 $0x8F2B, s0  }
0xbd: {  	[sflag:s0] =	ssyncadd.remote.s32 $0x1  }
0xbe: {  	_ =	sfence.sel $0xFFFF  }
0xbf: {  	[dreg:$0x0] =	wrdreg $0xFFFFFFFF;
	(pc) =	sbr.abs _section_cstart, $3  }
0xc0: {  	[dreg:$0x1] =	wrdreg $0xFFFFFFFF  }
0xc1: {  	_ =	task.clear_ibuf [dreg:s7], $0x2FFFF;
	_ =	strace $0x9FFFFFFF  }
0xc2: {  	(tm) =	ssettm $0x7FFFFFFF  }
0xc3: {  	_ =	shalt  }
tec
execute0_lowered:
.L_overlay_start_1:
0x0: {  	(tag) =	ssettag $0x1  }
0x1: {  	s7 =	rddreg [dreg:$0x0]  }
0x2: {  	s2 =	rddreg [dreg:$0x1];
	s3 =	srdreg.scid  }
0x3: {  	s0 =	rddreg [dreg:$0x2];
	s1 =	stileid.u32  }
0x4: {  	s11 =	simm.s32 $0x1;
	s12 =	simm.s32 $0x200;
	s13 =	simm.s32 $0x400  }
0x5: {  	s14 =	simm.s32 $0x2;
	s15 =	simm.s32 $0x3;
	s16 =	simm.s32 $0x4000  }
0x6: {  	s17 =	simm.s32 $0x0;
	s5 =	sand.u32 $0x1, s3;
	s3 =	simm.s32 $0x0  }
0x7: {  	s4 =	sshll.u32 s1, $0xA;
	s6 =	sshll.u32 s5, $0x9;
	[smem:$0x7FF] =	sst s3  }
0x8: {  	v0 =	vlaneseq.u32;
	s8 =	ssub.s32 $0x2, s5;
	s5 =	sadd.s32 $0xF42A00, s7;
	s4 =	sor.u32 s6, s4  }
0x9: {  	v22 =	vmul.u32 $0x20, v0;
	s7 =	sadd.s32 $0x600, s7;
	s9 =	sshrl.u32 s8, $0x1;
	s6 =	sshrl.u32 s4, $0x3  }
0xa: {  	_ =	strace $0x80000047;
	s10 =	ssub.s32 s8, s9;
	s6 =	sadd.s32 s2, s6  }
0xb: {  	[tilespmem:$0x1FFF0] =	vst v22;
	s9 =	sor.u32 $0x8000, s4;
	s10 =	smax.u32 s10, $0x1;
	s8 =	sadd.s32 $0x800, s6  }
.LBB2_1:
0xc: {  	[tilespmem:s3], [sflag:$0x1] =	stream.linear.gather [hbm4b:s6+s3], $0x200, $0x38;
	[tilespmem:$0x10400] =	vst v63  }
0xd: {  	_ =	swait.ge [sflag:s11], $0x200  }
0xe: {  	[sflag:s11] =	ssyncset.done $0x0  }
0xf: {  	[sflag:s11] =	ssyncadd.s32 $0xFFFFFE00  }
0x10: {  	[tilespmem:s13], [sflag:$0x2] =	stream.indirect.gather [hbm4b:s5+s12], $0x20, s3, s12, $0xb8;
	[tilespmem:$0x10400] =	vst v63  }
0x11: {  	p0 =	por $0x0, $0x0;
	s18 =	simm.s32 $0x0  }
0x12: {  	[tilespmem:s12], [sflag:$0x1] =	stream.linear.gather [hbm4b:s8+s3], $0x200, $0x38;
	[tilespmem:$0x10400] =	vst v63  }
.LBB2_2:
0x13: {  	_ =	swait.ge [sflag:s14], $0x4000  }
0x14: {  	p1 =	seq.s32 s18, $0x31;
	[sflag:s14] =	ssyncset.done $0x0  }
0x15: {  	s19 =	sand.u32 $0x1, s18;
	s20 =	simm.s32 @!p1 $0x1;
	[sflag:s14] =	ssyncadd.s32 $0xFFFFC000  }
0x16: {  	s21 =	sxor.u32 @!p1 $0x1, s19;
	p2 =	sgt.u32 @!p1 s18, $0x2F;
	_ =	swait.ge @!p1 [sflag:s20], $0x200  }
0x17: {  	s22 =	sshll.u32 @!p1 s21, $0x9;
	s21 =	sshll.u32 @!p1 s21, $0xE;
	[sflag:s20] =	ssyncset.done @!p1 $0x0  }
0x18: {  	[sflag:s20] =	ssyncadd.s32 @!p1 $0xFFFFFE00;
	s20 =	sor.u32 @!p1 $0x400, s21;
	s21 =	simm.s32 @!p1 $0x200  }
0x19: {  	[tilespmem:s20], [sflag:$0x2] =	stream.indirect.gather @!p1 [hbm4b:s5+s21], $0x20, s22, s21, $0xb8;
	[tilespmem:$0x10400] =	vst v63  }
0x1a: {  	p1 =	por p1, p2  }
0x1b: {  	s20 =	sshll.u32 @!p1 s18, $0xE  }
0x1c: {  	s24 =	simm.s32 $0x30;
	s25 =	simm.s32 $0x10;
	s20 =	sadd.s32 @!p1 s9, s20  }
0x1d: {  	s26 =	simm.s32 $0x20;
	v0 =	vmov s24;
	s21 =	sshll.u32 @!p1 s19, $0x9;
	s20 =	sshrl.u32 @!p1 s20, $0x3  }
0x1e: {  	v1 =	vmov s25;
	v0 =	vshll.u32 v0, $0x5;
	s22 =	simm.s32 @!p1 $0x0;
	p2 =	slt.u32 @!p1 s18, $0x2;
	s20 =	sadd.s32 @!p1 s2, s20  }
0x1f: {  	v2 =	vmov s26;
	v1 =	vshll.u32 v1, $0x5;
	v5 =	vor.u32 v22, v0;
	[tilespmem:s21], [sflag:$0x1] =	stream.linear.gather @!p1 [hbm4b:s20+s22], $0x200, $0x38;
	[tilespmem:$0x10400] =	vst v63  }
0x20: {  	v3 =	vor.u32 v22, v1;
	v0 =	vshll.u32 v2, $0x5;
	p1 =	por p1, !p2  }
0x21: {  	s28 =	simm.s32 $0x0;
	v2 =	vor.u32 v22, v0;
	_ =	swait.ge @p1 [sflag:s15], $0x4000  }
0x22: {  	v0 =	vmov s28;
	s19 =	sshll.u32 s19, $0xE;
	[sflag:s15] =	ssyncset.done @p1 $0x0  }
0x23: {  	v0 =	vshll.u32 v0, $0x5;
	s20 =	sor.u32 $0x400, s19;
	[sflag:s15] =	ssyncadd.s32 @p1 $0xFFFFC000  }
0x24: {  	v4 =	vor.u32 v22, v0;
	v0 =	vld.idx.msk [tilespmem:v5+s20+$0x0], $0xffff  }
0x25: {  	v6 =	vor.u32 $0x1, v5;
	s21 =	simm.s32 $0x1;
	v1 =	vld.idx.msk [tilespmem:v3+s20+$0x0], $0xffff  }
0x26: {  	v7 =	vor.u32 $0x1, v3;
	s21 =	simm.s32 @!p0 $0x0;
	v8 =	vld.idx.msk [tilespmem:v2+s20+$0x0], $0xffff  }
0x27: {  	v9 =	vor.u32 $0x1, v2;
	s21 =	sshll.u32 s21, $0xE  }
0x28: {  	s21 =	sor.u32 $0xA400, s21  }
0x29: {  	v10 =	vld.idx.msk [tilespmem:v4+s20+$0x0], $0xffff;
	[tilespmem:s21+$0xFFFFE030] =	vst v0  }
0x2a: {  	v0 =	vor.u32 $0x1, v4;
	[tilespmem:s21+$0xFFFFE010] =	vst v1;
	v1 =	vld.idx.msk [tilespmem:v6+s20+$0x0], $0xffff  }
0x2b: {  	[tilespmem:s21+$0xFFFFE020] =	vst v8;
	v6 =	vld.idx.msk [tilespmem:v7+s20+$0x0], $0xffff;
	v7 =	vor.u32 $0x2, v5  }
0x2c: {  	v8 =	vor.u32 $0x2, v3;
	v9 =	vld.idx.msk [tilespmem:v9+s20+$0x0], $0xffff  }
0x2d: {  	v11 =	vor.u32 $0x2, v2  }
0x2e: {  	[tilespmem:s21+$0xFFFFE000] =	vst v10  }
0x2f: {  	v0 =	vld.idx.msk [tilespmem:v0+s20+$0x0], $0xffff;
	[tilespmem:s21+$0xFFFFE230] =	vst v1  }
0x30: {  	v1 =	vor.u32 $0x2, v4;
	[tilespmem:s21+$0xFFFFE210] =	vst v6;
	v6 =	vld.idx.msk [tilespmem:v7+s20+$0x0], $0xffff  }
0x31: {  	[tilespmem:s21+$0xFFFFE220] =	vst v9;
	v7 =	vld.idx.msk [tilespmem:v8+s20+$0x0], $0xffff;
	v8 =	vor.u32 $0x3, v5  }
0x32: {  	v51 =	vor.u32 $0x3, v3;
	v52 =	vld.idx.msk [tilespmem:v11+s20+$0x0], $0xffff  }
0x33: {  	v53 =	vor.u32 $0x3, v2  }
0x34: {  	[tilespmem:s21+$0xFFFFE200] =	vst v0  }
0x35: {  	v0 =	vld.idx.msk [tilespmem:v1+s20+$0x0], $0xffff;
	[tilespmem:s21+$0xFFFFE430] =	vst v6  }
0x36: {  	v1 =	vor.u32 $0x3, v4;
	[tilespmem:s21+$0xFFFFE410] =	vst v7;
	v6 =	vld.idx.msk [tilespmem:v8+s20+$0x0], $0xffff  }
0x37: {  	[tilespmem:s21+$0xFFFFE420] =	vst v52;
	v7 =	vld.idx.msk [tilespmem:v51+s20+$0x0], $0xffff;
	v8 =	vor.u32 $0x4, v5  }
0x38: {  	v54 =	vor.u32 $0x4, v3;
	v10 =	vld.idx.msk [tilespmem:v53+s20+$0x0], $0xffff  }
0x39: {  	v55 =	vor.u32 $0x4, v2  }
0x3a: {  	[tilespmem:s21+$0xFFFFE400] =	vst v0  }
0x3b: {  	v0 =	vld.idx.msk [tilespmem:v1+s20+$0x0], $0xffff;
	[tilespmem:s21+$0xFFFFE630] =	vst v6  }
0x3c: {  	v1 =	vor.u32 $0x4, v4;
	[tilespmem:s21+$0xFFFFE610] =	vst v7;
	v6 =	vld.idx.msk [tilespmem:v8+s20+$0x0], $0xffff  }
0x3d: {  	[tilespmem:s21+$0xFFFFE620] =	vst v10;
	v7 =	vld.idx.msk [tilespmem:v54+s20+$0x0], $0xffff;
	v8 =	vor.u32 $0x5, v5  }
0x3e: {  	v56 =	vor.u32 $0x5, v3;
	v10 =	vld.idx.msk [tilespmem:v55+s20+$0x0], $0xffff  }
0x3f: {  	v57 =	vor.u32 $0x5, v2  }
0x40: {  	[tilespmem:s21+$0xFFFFE600] =	vst v0  }
0x41: {  	v0 =	vld.idx.msk [tilespmem:v1+s20+$0x0], $0xffff;
	[tilespmem:s21+$0xFFFFE830] =	vst v6  }
0x42: {  	v1 =	vor.u32 $0x5, v4;
	[tilespmem:s21+$0xFFFFE810] =	vst v7;
	v6 =	vld.idx.msk [tilespmem:v8+s20+$0x0], $0xffff  }
0x43: {  	[tilespmem:s21+$0xFFFFE820] =	vst v10;
	v7 =	vld.idx.msk [tilespmem:v56+s20+$0x0], $0xffff;
	v8 =	vor.u32 $0x6, v5  }
0x44: {  	v58 =	vor.u32 $0x6, v3;
	v10 =	vld.idx.msk [tilespmem:v57+s20+$0x0], $0xffff  }
0x45: {  	v59 =	vor.u32 $0x6, v2  }
0x46: {  	[tilespmem:s21+$0xFFFFE800] =	vst v0  }
0x47: {  	v0 =	vld.idx.msk [tilespmem:v1+s20+$0x0], $0xffff;
	[tilespmem:s21+$0xFFFFEA30] =	vst v6  }
0x48: {  	v1 =	vor.u32 $0x6, v4;
	[tilespmem:s21+$0xFFFFEA10] =	vst v7;
	v6 =	vld.idx.msk [tilespmem:v8+s20+$0x0], $0xffff  }
0x49: {  	[tilespmem:s21+$0xFFFFEA20] =	vst v10;
	v7 =	vld.idx.msk [tilespmem:v58+s20+$0x0], $0xffff;
	v8 =	vor.u32 $0x7, v5  }
0x4a: {  	v60 =	vor.u32 $0x7, v3;
	v10 =	vld.idx.msk [tilespmem:v59+s20+$0x0], $0xffff  }
0x4b: {  	v61 =	vor.u32 $0x7, v2  }
0x4c: {  	[tilespmem:s21+$0xFFFFEA00] =	vst v0  }
0x4d: {  	v0 =	vld.idx.msk [tilespmem:v1+s20+$0x0], $0xffff;
	[tilespmem:s21+$0xFFFFEC30] =	vst v6  }
0x4e: {  	v1 =	vor.u32 $0x7, v4;
	[tilespmem:s21+$0xFFFFEC10] =	vst v7;
	v6 =	vld.idx.msk [tilespmem:v8+s20+$0x0], $0xffff  }
0x4f: {  	[tilespmem:s21+$0xFFFFEC20] =	vst v10;
	v7 =	vld.idx.msk [tilespmem:v60+s20+$0x0], $0xffff;
	v8 =	vor.u32 $0x8, v5  }
0x50: {  	v62 =	vor.u32 $0x8, v3;
	v10 =	vld.idx.msk [tilespmem:v61+s20+$0x0], $0xffff  }
0x51: {  	v63 =	vor.u32 $0x8, v2  }
0x52: {  	[tilespmem:s21+$0xFFFFEC00] =	vst v0  }
0x53: {  	v0 =	vld.idx.msk [tilespmem:v1+s20+$0x0], $0xffff;
	[tilespmem:s21+$0xFFFFEE30] =	vst v6  }
0x54: {  	v1 =	vor.u32 $0x8, v4;
	[tilespmem:s21+$0xFFFFEE10] =	vst v7;
	v6 =	vld.idx.msk [tilespmem:v8+s20+$0x0], $0xffff  }
0x55: {  	[tilespmem:s21+$0xFFFFEE20] =	vst v10;
	v7 =	vld.idx.msk [tilespmem:v62+s20+$0x0], $0xffff;
	v8 =	vor.u32 $0x9, v5  }
0x56: {  	v32 =	vor.u32 $0x9, v3;
	v10 =	vld.idx.msk [tilespmem:v63+s20+$0x0], $0xffff  }
0x57: {  	v33 =	vor.u32 $0x9, v2  }
0x58: {  	[tilespmem:s21+$0xFFFFEE00] =	vst v0  }
0x59: {  	v0 =	vld.idx.msk [tilespmem:v1+s20+$0x0], $0xffff;
	[tilespmem:s21+$0xFFFFF030] =	vst v6  }
0x5a: {  	v1 =	vor.u32 $0x9, v4;
	[tilespmem:s21+$0xFFFFF010] =	vst v7;
	v6 =	vld.idx.msk [tilespmem:v8+s20+$0x0], $0xffff  }
0x5b: {  	[tilespmem:s21+$0xFFFFF020] =	vst v10;
	v7 =	vld.idx.msk [tilespmem:v32+s20+$0x0], $0xffff;
	v8 =	vor.u32 $0xA, v5  }
0x5c: {  	v34 =	vor.u32 $0xA, v3;
	v10 =	vld.idx.msk [tilespmem:v33+s20+$0x0], $0xffff  }
0x5d: {  	v35 =	vor.u32 $0xA, v2  }
0x5e: {  	[tilespmem:s21+$0xFFFFF000] =	vst v0  }
0x5f: {  	v0 =	vld.idx.msk [tilespmem:v1+s20+$0x0], $0xffff;
	[tilespmem:s21+$0xFFFFF230] =	vst v6  }
0x60: {  	v1 =	vor.u32 $0xA, v4;
	[tilespmem:s21+$0xFFFFF210] =	vst v7;
	v6 =	vld.idx.msk [tilespmem:v8+s20+$0x0], $0xffff  }
0x61: {  	[tilespmem:s21+$0xFFFFF220] =	vst v10;
	v7 =	vld.idx.msk [tilespmem:v34+s20+$0x0], $0xffff;
	v8 =	vor.u32 $0xB, v5  }
0x62: {  	v36 =	vor.u32 $0xB, v3;
	v10 =	vld.idx.msk [tilespmem:v35+s20+$0x0], $0xffff  }
0x63: {  	v37 =	vor.u32 $0xB, v2  }
0x64: {  	[tilespmem:s21+$0xFFFFF200] =	vst v0  }
0x65: {  	v0 =	vld.idx.msk [tilespmem:v1+s20+$0x0], $0xffff;
	[tilespmem:s21+$0xFFFFF430] =	vst v6  }
0x66: {  	v1 =	vor.u32 $0xB, v4;
	[tilespmem:s21+$0xFFFFF410] =	vst v7;
	v6 =	vld.idx.msk [tilespmem:v8+s20+$0x0], $0xffff  }
0x67: {  	[tilespmem:s21+$0xFFFFF420] =	vst v10;
	v7 =	vld.idx.msk [tilespmem:v36+s20+$0x0], $0xffff;
	v8 =	vor.u32 $0xC, v5  }
0x68: {  	v38 =	vor.u32 $0xC, v3;
	v10 =	vld.idx.msk [tilespmem:v37+s20+$0x0], $0xffff  }
0x69: {  	v39 =	vor.u32 $0xC, v2  }
0x6a: {  	[tilespmem:s21+$0xFFFFF400] =	vst v0  }
0x6b: {  	v0 =	vld.idx.msk [tilespmem:v1+s20+$0x0], $0xffff;
	[tilespmem:s21+$0xFFFFF630] =	vst v6  }
0x6c: {  	v1 =	vor.u32 $0xC, v4;
	[tilespmem:s21+$0xFFFFF610] =	vst v7;
	v6 =	vld.idx.msk [tilespmem:v8+s20+$0x0], $0xffff  }
0x6d: {  	[tilespmem:s21+$0xFFFFF620] =	vst v10;
	v7 =	vld.idx.msk [tilespmem:v38+s20+$0x0], $0xffff;
	v8 =	vor.u32 $0xD, v5  }
0x6e: {  	v40 =	vor.u32 $0xD, v3;
	v10 =	vld.idx.msk [tilespmem:v39+s20+$0x0], $0xffff  }
0x6f: {  	v41 =	vor.u32 $0xD, v2  }
0x70: {  	[tilespmem:s21+$0xFFFFF600] =	vst v0  }
0x71: {  	v0 =	vld.idx.msk [tilespmem:v1+s20+$0x0], $0xffff;
	[tilespmem:s21+$0xFFFFF830] =	vst v6  }
0x72: {  	v1 =	vor.u32 $0xD, v4;
	[tilespmem:s21+$0xFFFFF810] =	vst v7;
	v6 =	vld.idx.msk [tilespmem:v8+s20+$0x0], $0xffff  }
0x73: {  	[tilespmem:s21+$0xFFFFF820] =	vst v10;
	v7 =	vld.idx.msk [tilespmem:v40+s20+$0x0], $0xffff;
	v8 =	vor.u32 $0xE, v5  }
0x74: {  	v42 =	vor.u32 $0xE, v3;
	v10 =	vld.idx.msk [tilespmem:v41+s20+$0x0], $0xffff  }
0x75: {  	v43 =	vor.u32 $0xE, v2  }
0x76: {  	[tilespmem:s21+$0xFFFFF800] =	vst v0  }
0x77: {  	v0 =	vld.idx.msk [tilespmem:v1+s20+$0x0], $0xffff;
	[tilespmem:s21+$0xFFFFFA30] =	vst v6  }
0x78: {  	v1 =	vor.u32 $0xE, v4;
	[tilespmem:s21+$0xFFFFFA10] =	vst v7;
	v6 =	vld.idx.msk [tilespmem:v8+s20+$0x0], $0xffff  }
0x79: {  	[tilespmem:s21+$0xFFFFFA20] =	vst v10;
	v7 =	vld.idx.msk [tilespmem:v42+s20+$0x0], $0xffff;
	v8 =	vor.u32 $0xF, v5  }
0x7a: {  	v44 =	vor.u32 $0xF, v3;
	v10 =	vld.idx.msk [tilespmem:v43+s20+$0x0], $0xffff  }
0x7b: {  	v45 =	vor.u32 $0xF, v2  }
0x7c: {  	[tilespmem:s21+$0xFFFFFA00] =	vst v0  }
0x7d: {  	v0 =	vld.idx.msk [tilespmem:v1+s20+$0x0], $0xffff;
	[tilespmem:s21+$0xFFFFFC30] =	vst v6  }
0x7e: {  	v1 =	vor.u32 $0xF, v4;
	[tilespmem:s21+$0xFFFFFC10] =	vst v7;
	v6 =	vld.idx.msk [tilespmem:v8+s20+$0x0], $0xffff  }
0x7f: {  	[tilespmem:s21+$0xFFFFFC20] =	vst v10;
	v7 =	vld.idx.msk [tilespmem:v44+s20+$0x0], $0xffff;
	v8 =	vor.u32 $0x10, v5  }
0x80: {  	v46 =	vor.u32 $0x10, v3;
	v10 =	vld.idx.msk [tilespmem:v45+s20+$0x0], $0xffff  }
0x81: {  	v47 =	vor.u32 $0x10, v2  }
0x82: {  	[tilespmem:s21+$0xFFFFFC00] =	vst v0  }
0x83: {  	v0 =	vld.idx.msk [tilespmem:v1+s20+$0x0], $0xffff;
	[tilespmem:s21+$0xFFFFFE30] =	vst v6  }
0x84: {  	v1 =	vor.u32 $0x10, v4;
	[tilespmem:s21+$0xFFFFFE10] =	vst v7;
	v6 =	vld.idx.msk [tilespmem:v8+s20+$0x0], $0xffff  }
0x85: {  	[tilespmem:s21+$0xFFFFFE20] =	vst v10;
	v7 =	vld.idx.msk [tilespmem:v46+s20+$0x0], $0xffff;
	v8 =	vor.u32 $0x11, v5  }
0x86: {  	v48 =	vor.u32 $0x11, v3;
	v10 =	vld.idx.msk [tilespmem:v47+s20+$0x0], $0xffff  }
0x87: {  	v49 =	vor.u32 $0x11, v2  }
0x88: {  	[tilespmem:s21+$0xFFFFFE00] =	vst v0  }
0x89: {  	v0 =	vld.idx.msk [tilespmem:v1+s20+$0x0], $0xffff;
	[tilespmem:s21+$0x30] =	vst v6  }
0x8a: {  	v6 =	vor.u32 $0x11, v4;
	[tilespmem:s21+$0x10] =	vst v7;
	v7 =	vld.idx.msk [tilespmem:v8+s20+$0x0], $0xffff  }
0x8b: {  	s29 =	simm.s32 $0x70;
	v50 =	vor.u32 $0x12, v5;
	[tilespmem:s21+$0x20] =	vst v10;
	v9 =	vld.idx.msk [tilespmem:v48+s20+$0x0], $0xffff  }
0x8c: {  	s23 =	simm.s32 $0x50;
	v12 =	vor.u32 $0x12, v3;
	v1 =	vmov s29;
	v11 =	vld.idx.msk [tilespmem:v49+s20+$0x0], $0xffff  }
0x8d: {  	s30 =	simm.s32 $0x60;
	v13 =	vor.u32 $0x12, v2;
	v1 =	vshll.u32 v1, $0x5;
	v8 =	vmov s23  }
0x8e: {  	s31 =	simm.s32 $0x40;
	v14 =	vmov s30;
	v60 =	vor.u32 v22, v1;
	[tilespmem:s21+$0x0] =	vst v0;
	v0 =	vshll.u32 v8, $0x5  }
0x8f: {  	v15 =	vmov s31;
	v6 =	vld.idx.msk [tilespmem:v6+s20+$0x0], $0xffff;
	v8 =	vor.u32 v22, v0;
	v0 =	vshll.u32 v14, $0x5;
	[tilespmem:s21+$0x230] =	vst v7  }
0x90: {  	v7 =	vshll.u32 v15, $0x5;
	v47 =	vor.u32 v22, v0;
	[tilespmem:s21+$0x210] =	vst v9;
	v0 =	vld.idx.msk [tilespmem:v50+s20+$0x0], $0xffff  }
0x91: {  	v53 =	vor.u32 $0x12, v4;
	[tilespmem:s21+$0x220] =	vst v11;
	v46 =	vor.u32 v22, v7;
	v7 =	vld.idx.msk [tilespmem:v12+s20+$0x0], $0xffff  }
0x92: {  	v51 =	vld.idx.msk [tilespmem:v13+s20+$0x0], $0xffff  }
0x93: {  	v52 =	vor.u32 $0x13, v5;
	v12 =	vld.idx.msk [tilespmem:v60+s20+$0x0], $0xffff  }
0x94: {  	v13 =	vor.u32 $0x13, v3;
	v14 =	vld.idx.msk [tilespmem:v8+s20+$0x0], $0xffff;
	[tilespmem:s21+$0x200] =	vst v6  }
0x95: {  	v15 =	vor.u32 $0x1, v60;
	v6 =	vld.idx.msk [tilespmem:v47+s20+$0x0], $0xffff;
	[tilespmem:s21+$0x430] =	vst v0  }
0x96: {  	v16 =	vor.u32 $0x1, v8;
	v11 =	vld.idx.msk [tilespmem:v53+s20+$0x0], $0xffff;
	[tilespmem:s21+$0x410] =	vst v7  }
0x97: {  	s22 =	sadd.s32 $0x40, s21;
	v17 =	vld.idx.msk [tilespmem:v46+s20+$0x0], $0xffff;
	v0 =	vor.u32 $0x1, v47;
	[tilespmem:s21+$0x420] =	vst v51  }
0x98: {  	v54 =	vor.u32 $0x1, v46;
	[tilespmem:s22+$0xFFFFE030] =	vst v12;
	v7 =	vld.idx.msk [tilespmem:v52+s20+$0x0], $0xffff  }
0x99: {  	v55 =	vld.idx.msk [tilespmem:v13+s20+$0x0], $0xffff;
	v13 =	vor.u32 $0x13, v2;
	[tilespmem:s22+$0xFFFFE010] =	vst v14  }
0x9a: {  	v12 =	vor.u32 $0x14, v5;
	v14 =	vld.idx.msk [tilespmem:v15+s20+$0x0], $0xffff;
	[tilespmem:s22+$0xFFFFE020] =	vst v6  }
0x9b: {  	v15 =	vor.u32 $0x13, v4;
	v16 =	vld.idx.msk [tilespmem:v16+s20+$0x0], $0xffff;
	[tilespmem:s21+$0x400] =	vst v11  }
0x9c: {  	v6 =	vor.u32 $0x2, v60;
	[tilespmem:s22+$0xFFFFE000] =	vst v17;
	v0 =	vld.idx.msk [tilespmem:v0+s20+$0x0], $0xffff  }
0x9d: {  	v17 =	vor.u32 $0x2, v8;
	v10 =	vld.idx.msk [tilespmem:v54+s20+$0x0], $0xffff;
	[tilespmem:s21+$0x630] =	vst v7  }
0x9e: {  	v7 =	vor.u32 $0x2, v47;
	[tilespmem:s21+$0x610] =	vst v55;
	v57 =	vld.idx.msk [tilespmem:v13+s20+$0x0], $0xffff  }
0x9f: {  	v56 =	vld.idx.msk [tilespmem:v12+s20+$0x0], $0xffff;
	v12 =	vor.u32 $0x2, v46;
	[tilespmem:s22+$0xFFFFE230] =	vst v14  }
0xa0: {  	v13 =	vld.idx.msk [tilespmem:v15+s20+$0x0], $0xffff;
	v14 =	vor.u32 $0x15, v5;
	[tilespmem:s22+$0xFFFFE210] =	vst v16  }
0xa1: {  	v15 =	vor.u32 $0x14, v3;
	v6 =	vld.idx.msk [tilespmem:v6+s20+$0x0], $0xffff;
	[tilespmem:s22+$0xFFFFE220] =	vst v0  }
0xa2: {  	v16 =	vor.u32 $0x14, v2;
	v17 =	vld.idx.msk [tilespmem:v17+s20+$0x0], $0xffff;
	[tilespmem:s22+$0xFFFFE200] =	vst v10  }
0xa3: {  	v0 =	vld.idx.msk [tilespmem:v7+s20+$0x0], $0xffff;
	v7 =	vor.u32 $0x3, v60;
	[tilespmem:s21+$0x620] =	vst v57  }
0xa4: {  	v58 =	vor.u32 $0x3, v8;
	v12 =	vld.idx.msk [tilespmem:v12+s20+$0x0], $0xffff;
	[tilespmem:s21+$0x830] =	vst v56  }
0xa5: {  	v59 =	vor.u32 $0x3, v47;
	v61 =	vld.idx.msk [tilespmem:v14+s20+$0x0], $0xffff;
	[tilespmem:s21+$0x600] =	vst v13  }
0xa6: {  	v14 =	vor.u32 $0x3, v46;
	v13 =	vld.idx.msk [tilespmem:v15+s20+$0x0], $0xffff;
	[tilespmem:s22+$0xFFFFE430] =	vst v6  }
0xa7: {  	v15 =	vor.u32 $0x16, v5;
	v6 =	vld.idx.msk [tilespmem:v16+s20+$0x0], $0xffff;
	[tilespmem:s22+$0xFFFFE410] =	vst v17  }
0xa8: {  	v16 =	vor.u32 $0x14, v4;
	v7 =	vld.idx.msk [tilespmem:v7+s20+$0x0], $0xffff;
	[tilespmem:s22+$0xFFFFE420] =	vst v0  }
0xa9: {  	v17 =	vor.u32 $0x15, v3;
	v10 =	vld.idx.msk [tilespmem:v58+s20+$0x0], $0xffff;
	[tilespmem:s22+$0xFFFFE400] =	vst v12  }
0xaa: {  	v62 =	vor.u32 $0x4, v60;
	v0 =	vld.idx.msk [tilespmem:v59+s20+$0x0], $0xffff;
	[tilespmem:s21+$0xA30] =	vst v61  }
0xab: {  	v12 =	vor.u32 $0x4, v8;
	v14 =	vld.idx.msk [tilespmem:v14+s20+$0x0], $0xffff;
	[tilespmem:s21+$0x810] =	vst v13  }
0xac: {  	v63 =	vor.u32 $0x4, v47;
	v13 =	vld.idx.msk [tilespmem:v15+s20+$0x0], $0xffff;
	[tilespmem:s21+$0x820] =	vst v6  }
0xad: {  	v15 =	vor.u32 $0x4, v46;
	v16 =	vld.idx.msk [tilespmem:v16+s20+$0x0], $0xffff;
	[tilespmem:s22+$0xFFFFE630] =	vst v7  }
0xae: {  	v6 =	vld.idx.msk [tilespmem:v17+s20+$0x0], $0xffff;
	v17 =	vor.u32 $0x15, v2;
	[tilespmem:s22+$0xFFFFE610] =	vst v10  }
0xaf: {  	v33 =	vor.u32 $0x15, v4;
	v32 =	vld.idx.msk [tilespmem:v62+s20+$0x0], $0xffff;
	[tilespmem:s22+$0xFFFFE620] =	vst v0  }
0xb0: {  	v7 =	vor.u32 $0x17, v5;
	v12 =	vld.idx.msk [tilespmem:v12+s20+$0x0], $0xffff;
	[tilespmem:s22+$0xFFFFE600] =	vst v14  }
0xb1: {  	v34 =	vor.u32 $0x5, v60;
	v0 =	vld.idx.msk [tilespmem:v63+s20+$0x0], $0xffff;
	[tilespmem:s21+$0xC30] =	vst v13  }
0xb2: {  	v14 =	vor.u32 $0x5, v8;
	v15 =	vld.idx.msk [tilespmem:v15+s20+$0x0], $0xffff;
	[tilespmem:s21+$0x800] =	vst v16  }
0xb3: {  	v13 =	vor.u32 $0x5, v47;
	[tilespmem:s21+$0xA10] =	vst v6;
	v6 =	vld.idx.msk [tilespmem:v17+s20+$0x0], $0xffff  }
0xb4: {  	v16 =	vor.u32 $0x5, v46;
	v35 =	vld.idx.msk [tilespmem:v33+s20+$0x0], $0xffff  }
0xb5: {  	v17 =	vor.u32 $0x16, v3;
	v7 =	vld.idx.msk [tilespmem:v7+s20+$0x0], $0xffff;
	[tilespmem:s22+$0xFFFFE830] =	vst v32  }
0xb6: {  	v36 =	vor.u32 $0x18, v5;
	[tilespmem:s22+$0xFFFFE810] =	vst v12;
	v9 =	vld.idx.msk [tilespmem:v34+s20+$0x0], $0xffff  }
0xb7: {  	v12 =	vor.u32 $0x16, v2;
	v14 =	vld.idx.msk [tilespmem:v14+s20+$0x0], $0xffff;
	[tilespmem:s22+$0xFFFFE820] =	vst v0  }
0xb8: {  	[tilespmem:s22+$0xFFFFE800] =	vst v15;
	v0 =	vld.idx.msk [tilespmem:v13+s20+$0x0], $0xffff;
	v13 =	vor.u32 $0x6, v60  }
0xb9: {  	v15 =	vor.u32 $0x6, v8;
	v16 =	vld.idx.msk [tilespmem:v16+s20+$0x0], $0xffff;
	[tilespmem:s21+$0xA20] =	vst v6  }
0xba: {  	v38 =	vld.idx.msk [tilespmem:v17+s20+$0x0], $0xffff;
	v17 =	vor.u32 $0x16, v4;
	[tilespmem:s21+$0xE30] =	vst v7  }
0xbb: {  	[tilespmem:s21+$0xA00] =	vst v35;
	v7 =	vor.u32 $0x6, v47;
	v6 =	vld.idx.msk [tilespmem:v36+s20+$0x0], $0xffff  }
0xbc: {  	v37 =	vor.u32 $0x6, v46;
	v39 =	vld.idx.msk [tilespmem:v12+s20+$0x0], $0xffff;
	[tilespmem:s22+$0xFFFFEA30] =	vst v9  }
0xbd: {  	v12 =	vor.u32 $0x19, v5;
	[tilespmem:s22+$0xFFFFEA10] =	vst v14;
	v13 =	vld.idx.msk [tilespmem:v13+s20+$0x0], $0xffff  }
0xbe: {  	v14 =	vor.u32 $0x17, v3;
	v15 =	vld.idx.msk [tilespmem:v15+s20+$0x0], $0xffff;
	[tilespmem:s22+$0xFFFFEA20] =	vst v0  }
0xbf: {  	[tilespmem:s22+$0xFFFFEA00] =	vst v16;
	v16 =	vor.u32 $0x7, v8;
	v17 =	vld.idx.msk [tilespmem:v17+s20+$0x0], $0xffff  }
0xc0: {  	[tilespmem:s21+$0xC10] =	vst v38;
	v0 =	vld.idx.msk [tilespmem:v7+s20+$0x0], $0xffff;
	v7 =	vor.u32 $0x7, v60  }
0xc1: {  	v11 =	vld.idx.msk [tilespmem:v37+s20+$0x0], $0xffff;
	[tilespmem:s21+$0x1030] =	vst v6;
	v6 =	vor.u32 $0x7, v47  }
0xc2: {  	[tilespmem:s21+$0xC20] =	vst v39;
	v40 =	vld.idx.msk [tilespmem:v12+s20+$0x0], $0xffff;
	v12 =	vor.u32 $0x7, v46  }
0xc3: {  	v41 =	vld.idx.msk [tilespmem:v14+s20+$0x0], $0xffff;
	v14 =	vor.u32 $0x17, v2;
	[tilespmem:s22+$0xFFFFEC10] =	vst v15  }
0xc4: {  	[tilespmem:s22+$0xFFFFEC30] =	vst v13;
	v13 =	vor.u32 $0x1A, v5;
	v16 =	vld.idx.msk [tilespmem:v16+s20+$0x0], $0xffff  }
0xc5: {  	v15 =	vor.u32 $0x17, v4;
	v7 =	vld.idx.msk [tilespmem:v7+s20+$0x0], $0xffff;
	[tilespmem:s22+$0xFFFFEC20] =	vst v0  }
0xc6: {  	v42 =	vor.u32 $0x8, v8;
	[tilespmem:s22+$0xFFFFEC00] =	vst v11;
	v0 =	vld.idx.msk [tilespmem:v6+s20+$0x0], $0xffff  }
0xc7: {  	[tilespmem:s21+$0xC00] =	vst v17;
	v6 =	vor.u32 $0x8, v60;
	v12 =	vld.idx.msk [tilespmem:v12+s20+$0x0], $0xffff  }
0xc8: {  	v43 =	vor.u32 $0x8, v47;
	[tilespmem:s21+$0x1230] =	vst v40;
	v44 =	vld.idx.msk [tilespmem:v14+s20+$0x0], $0xffff  }
0xc9: {  	v17 =	vor.u32 $0x8, v46;
	v13 =	vld.idx.msk [tilespmem:v13+s20+$0x0], $0xffff;
	[tilespmem:s22+$0xFFFFEE10] =	vst v16  }
0xca: {  	v14 =	vor.u32 $0x1B, v5;
	[tilespmem:s22+$0xFFFFEE30] =	vst v7;
	v7 =	vld.idx.msk [tilespmem:v15+s20+$0x0], $0xffff  }
0xcb: {  	[tilespmem:s21+$0xE10] =	vst v41;
	v15 =	vor.u32 $0x18, v3;
	v11 =	vld.idx.msk [tilespmem:v42+s20+$0x0], $0xffff  }
0xcc: {  	v16 =	vor.u32 $0x18, v2;
	v6 =	vld.idx.msk [tilespmem:v6+s20+$0x0], $0xffff;
	[tilespmem:s22+$0xFFFFEE20] =	vst v0  }
0xcd: {  	v45 =	vor.u32 $0x9, v60;
	[tilespmem:s22+$0xFFFFEE00] =	vst v12;
	v0 =	vld.idx.msk [tilespmem:v43+s20+$0x0], $0xffff  }
0xce: {  	v12 =	vor.u32 $0x9, v8;
	v17 =	vld.idx.msk [tilespmem:v17+s20+$0x0], $0xffff;
	[tilespmem:s21+$0x1430] =	vst v13  }
0xcf: {  	[tilespmem:s21+$0xE20] =	vst v44;
	v13 =	vor.u32 $0x9, v47;
	v48 =	vld.idx.msk [tilespmem:v14+s20+$0x0], $0xffff  }
0xd0: {  	v14 =	vor.u32 $0x9, v46;
	[tilespmem:s21+$0xE00] =	vst v7;
	v7 =	vld.idx.msk [tilespmem:v15+s20+$0x0], $0xffff  }
0xd1: {  	v15 =	vor.u32 $0x1C, v5;
	[tilespmem:s22+$0xFFFFF030] =	vst v6;
	v6 =	vld.idx.msk [tilespmem:v16+s20+$0x0], $0xffff  }
0xd2: {  	[tilespmem:s22+$0xFFFFF010] =	vst v11;
	v16 =	vor.u32 $0x18, v4;
	v10 =	vld.idx.msk [tilespmem:v45+s20+$0x0], $0xffff  }
0xd3: {  	v49 =	vor.u32 $0x19, v3;
	v12 =	vld.idx.msk [tilespmem:v12+s20+$0x0], $0xffff;
	[tilespmem:s22+$0xFFFFF020] =	vst v0  }
0xd4: {  	[tilespmem:s22+$0xFFFFF000] =	vst v17;
	v0 =	vld.idx.msk [tilespmem:v13+s20+$0x0], $0xffff;
	v13 =	vor.u32 $0xA, v60  }
0xd5: {  	v17 =	vor.u32 $0xA, v8;
	v14 =	vld.idx.msk [tilespmem:v14+s20+$0x0], $0xffff;
	[tilespmem:s21+$0x1630] =	vst v48  }
0xd6: {  	v50 =	vor.u32 $0xA, v47;
	[tilespmem:s21+$0x1010] =	vst v7;
	v7 =	vld.idx.msk [tilespmem:v15+s20+$0x0], $0xffff  }
0xd7: {  	v15 =	vor.u32 $0xA, v46;
	v16 =	vld.idx.msk [tilespmem:v16+s20+$0x0], $0xffff;
	[tilespmem:s21+$0x1020] =	vst v6  }
0xd8: {  	v51 =	vor.u32 $0x1D, v5;
	v6 =	vld.idx.msk [tilespmem:v49+s20+$0x0], $0xffff;
	[tilespmem:s22+$0xFFFFF230] =	vst v10  }
0xd9: {  	v52 =	vor.u32 $0x19, v2;
	[tilespmem:s22+$0xFFFFF210] =	vst v12;
	v12 =	vld.idx.msk [tilespmem:v13+s20+$0x0], $0xffff  }
0xda: {  	v13 =	vor.u32 $0x19, v4;
	v17 =	vld.idx.msk [tilespmem:v17+s20+$0x0], $0xffff;
	[tilespmem:s22+$0xFFFFF220] =	vst v0  }
0xdb: {  	v53 =	vor.u32 $0xB, v60;
	[tilespmem:s22+$0xFFFFF200] =	vst v14;
	v0 =	vld.idx.msk [tilespmem:v50+s20+$0x0], $0xffff  }
0xdc: {  	v14 =	vor.u32 $0xB, v8;
	v15 =	vld.idx.msk [tilespmem:v15+s20+$0x0], $0xffff;
	[tilespmem:s21+$0x1830] =	vst v7  }
0xdd: {  	v7 =	vor.u32 $0xB, v47;
	[tilespmem:s21+$0x1000] =	vst v16;
	v10 =	vld.idx.msk [tilespmem:v51+s20+$0x0], $0xffff  }
0xde: {  	v16 =	vor.u32 $0xB, v46;
	[tilespmem:s21+$0x1210] =	vst v6;
	v6 =	vld.idx.msk [tilespmem:v52+s20+$0x0], $0xffff  }
0xdf: {  	[tilespmem:s22+$0xFFFFF430] =	vst v12;
	v54 =	vld.idx.msk [tilespmem:v13+s20+$0x0], $0xffff;
	v12 =	vor.u32 $0x1E, v5  }
0xe0: {  	v13 =	vor.u32 $0x1A, v3;
	[tilespmem:s22+$0xFFFFF410] =	vst v17;
	v9 =	vld.idx.msk [tilespmem:v53+s20+$0x0], $0xffff  }
0xe1: {  	v17 =	vor.u32 $0x1A, v2;
	v14 =	vld.idx.msk [tilespmem:v14+s20+$0x0], $0xffff;
	[tilespmem:s22+$0xFFFFF420] =	vst v0  }
0xe2: {  	[tilespmem:s22+$0xFFFFF400] =	vst v15;
	v0 =	vld.idx.msk [tilespmem:v7+s20+$0x0], $0xffff;
	v7 =	vor.u32 $0xC, v60  }
0xe3: {  	v15 =	vor.u32 $0xC, v8;
	v16 =	vld.idx.msk [tilespmem:v16+s20+$0x0], $0xffff;
	[tilespmem:s21+$0x1A30] =	vst v10  }
0xe4: {  	v55 =	vor.u32 $0xC, v47;
	[tilespmem:s21+$0x1220] =	vst v6;
	v6 =	vld.idx.msk [tilespmem:v12+s20+$0x0], $0xffff  }
0xe5: {  	v12 =	vor.u32 $0xC, v46;
	[tilespmem:s21+$0x1200] =	vst v54;
	v56 =	vld.idx.msk [tilespmem:v13+s20+$0x0], $0xffff  }
0xe6: {  	v57 =	vld.idx.msk [tilespmem:v17+s20+$0x0], $0xffff;
	v13 =	vor.u32 $0x1A, v4;
	[tilespmem:s22+$0xFFFFF630] =	vst v9  }
0xe7: {  	v5 =	vor.u32 $0x1F, v5;
	[tilespmem:s22+$0xFFFFF610] =	vst v14;
	v7 =	vld.idx.msk [tilespmem:v7+s20+$0x0], $0xffff  }
0xe8: {  	v61 =	vor.u32 $0x1B, v2;
	v15 =	vld.idx.msk [tilespmem:v15+s20+$0x0], $0xffff;
	[tilespmem:s22+$0xFFFFF620] =	vst v0  }
0xe9: {  	v14 =	vor.u32 $0x1B, v3;
	[tilespmem:s22+$0xFFFFF600] =	vst v16;
	v0 =	vld.idx.msk [tilespmem:v55+s20+$0x0], $0xffff  }
0xea: {  	v58 =	vor.u32 $0xD, v60;
	v12 =	vld.idx.msk [tilespmem:v12+s20+$0x0], $0xffff;
	[tilespmem:s21+$0x1C30] =	vst v6  }
0xeb: {  	v16 =	vor.u32 $0xD, v8;
	[tilespmem:s21+$0x1410] =	vst v56;
	v13 =	vld.idx.msk [tilespmem:v13+s20+$0x0], $0xffff  }
0xec: {  	v6 =	vor.u32 $0xD, v47;
	[tilespmem:s21+$0x1420] =	vst v57;
	v5 =	vld.idx.msk [tilespmem:v5+s20+$0x0], $0xffff  }
0xed: {  	v9 =	vld.idx.msk [tilespmem:v61+s20+$0x0], $0xffff;
	[tilespmem:s22+$0xFFFFF830] =	vst v7  }
0xee: {  	v59 =	vor.u32 $0xD, v46;
	v7 =	vld.idx.msk [tilespmem:v14+s20+$0x0], $0xffff;
	[tilespmem:s22+$0xFFFFF810] =	vst v15  }
0xef: {  	v14 =	vor.u32 $0x1B, v4;
	v10 =	vld.idx.msk [tilespmem:v58+s20+$0x0], $0xffff;
	[tilespmem:s22+$0xFFFFF820] =	vst v0  }
0xf0: {  	v15 =	vor.u32 $0x1C, v3;
	v16 =	vld.idx.msk [tilespmem:v16+s20+$0x0], $0xffff;
	[tilespmem:s22+$0xFFFFF800] =	vst v12  }
0xf1: {  	v0 =	vld.idx.msk [tilespmem:v6+s20+$0x0], $0xffff;
	v6 =	vor.u32 $0xE, v60;
	[tilespmem:s21+$0x1400] =	vst v13  }
0xf2: {  	v12 =	vor.u32 $0xE, v8;
	[tilespmem:s21+$0x1E30] =	vst v5  }
0xf3: {  	v11 =	vld.idx.msk [tilespmem:v59+s20+$0x0], $0xffff;
	v5 =	vor.u32 $0xE, v47;
	[tilespmem:s21+$0x1620] =	vst v9  }
0xf4: {  	v13 =	vor.u32 $0xE, v46;
	v14 =	vld.idx.msk [tilespmem:v14+s20+$0x0], $0xffff;
	[tilespmem:s21+$0x1610] =	vst v7  }
0xf5: {  	v7 =	vor.u32 $0x1C, v2;
	[tilespmem:s22+$0xFFFFFA30] =	vst v10;
	v62 =	vld.idx.msk [tilespmem:v15+s20+$0x0], $0xffff  }
0xf6: {  	v15 =	vor.u32 $0x1C, v4;
	[tilespmem:s22+$0xFFFFFA10] =	vst v16;
	v6 =	vld.idx.msk [tilespmem:v6+s20+$0x0], $0xffff  }
0xf7: {  	v16 =	vor.u32 $0x1D, v3;
	v12 =	vld.idx.msk [tilespmem:v12+s20+$0x0], $0xffff;
	[tilespmem:s22+$0xFFFFFA20] =	vst v0  }
0xf8: {  	v18 =	vor.u32 $0x1D, v2;
	v63 =	vor.u32 $0xF, v60;
	[tilespmem:s22+$0xFFFFFA00] =	vst v11;
	v5 =	vld.idx.msk [tilespmem:v5+s20+$0x0], $0xffff  }
0xf9: {  	v23 =	vor.u32 $0x1F, v2;
	v24 =	vor.u32 $0x1F, v4;
	v19 =	vor.u32 $0xF, v8;
	v13 =	vld.idx.msk [tilespmem:v13+s20+$0x0], $0xffff;
	[tilespmem:s21+$0x1600] =	vst v14  }
0xfa: {  	v21 =	vor.u32 $0x11, v8;
	v29 =	vor.u32 $0x1A, v8;
	v20 =	vor.u32 $0xF, v47;
	v7 =	vld.idx.msk [tilespmem:v7+s20+$0x0], $0xffff;
	[tilespmem:s21+$0x1810] =	vst v62  }
0xfb: {  	v9 =	vor.u32 $0x1E, v4;
	v0 =	vor.u32 $0x1D, v4;
	v4 =	vor.u32 $0xF, v46;
	v15 =	vld.idx.msk [tilespmem:v15+s20+$0x0], $0xffff;
	[tilespmem:s22+$0xFFFFFC30] =	vst v6  }
0xfc: {  	v27 =	vor.u32 $0x1B, v8;
	v25 =	vor.u32 $0x1C, v8;
	v1 =	vor.u32 $0x14, v47;
	v6 =	vld.idx.msk [tilespmem:v16+s20+$0x0], $0xffff;
	[tilespmem:s22+$0xFFFFFC10] =	vst v12  }
0xfd: {  	v31 =	vor.u32 $0x1A, v47;
	v26 =	vor.u32 $0x1B, v47;
	v30 =	vor.u32 $0x1A, v46;
	v11 =	vld.idx.msk [tilespmem:v63+s20+$0x0], $0xffff;
	[tilespmem:s22+$0xFFFFFC20] =	vst v5  }
0xfe: {  	v28 =	vor.u32 $0x1B, v46;
	v33 =	vor.u32 $0x19, v47;
	v17 =	vor.u32 $0x1E, v3;
	v12 =	vld.idx.msk [tilespmem:v19+s20+$0x0], $0xffff;
	[tilespmem:s22+$0xFFFFFC00] =	vst v13  }
0xff: {  	v32 =	vor.u32 $0x19, v8;
	v34 =	vor.u32 $0x18, v46;
	v5 =	vld.idx.msk [tilespmem:v20+s20+$0x0], $0xffff;
	v13 =	vor.u32 $0x10, v60;
	[tilespmem:s21+$0x1820] =	vst v7  }
0x100: {  	v14 =	vor.u32 $0x1E, v2;
	v2 =	vor.u32 $0x10, v8;
	v4 =	vld.idx.msk [tilespmem:v4+s20+$0x0], $0xffff;
	[tilespmem:s21+$0x1800] =	vst v15;
	v15 =	vor.u32 $0x15, v47  }
0x101: {  	v35 =	vor.u32 $0x19, v46;
	v36 =	vor.u32 $0x17, v46;
	v10 =	vor.u32 $0x10, v47;
	v7 =	vld.idx.msk [tilespmem:v18+s20+$0x0], $0xffff;
	[tilespmem:$0x1FFE0] =	vst v15  }
0x102: {  	v38 =	vor.u32 $0x18, v47;
	v39 =	vor.u32 $0x14, v8;
	v16 =	vor.u32 $0x10, v46;
	v0 =	vld.idx.msk [tilespmem:v0+s20+$0x0], $0xffff;
	[tilespmem:s21+$0x1A10] =	vst v6  }
0x103: {  	v40 =	vor.u32 $0x13, v8;
	v41 =	vor.u32 $0x17, v47;
	v42 =	vor.u32 $0x13, v46;
	[tilespmem:s22+$0xFFFFFE30] =	vst v11;
	v6 =	vld.idx.msk [tilespmem:v17+s20+$0x0], $0xffff  }
0x104: {  	v44 =	vor.u32 $0x12, v46;
	v43 =	vor.u32 $0x13, v47;
	v45 =	vor.u32 $0x15, v8;
	[tilespmem:s22+$0xFFFFFE10] =	vst v12;
	v11 =	vld.idx.msk [tilespmem:v13+s20+$0x0], $0xffff  }
0x105: {  	v48 =	vor.u32 $0x17, v8;
	v49 =	vor.u32 $0x12, v47;
	v3 =	vor.u32 $0x1F, v3;
	v2 =	vld.idx.msk [tilespmem:v2+s20+$0x0], $0xffff;
	[tilespmem:s22+$0xFFFFFE20] =	vst v5  }
0x106: {  	v50 =	vor.u32 $0x11, v46;
	v52 =	vor.u32 $0x12, v8;
	v12 =	vor.u32 $0x11, v60;
	[tilespmem:s22+$0xFFFFFE00] =	vst v4;
	v10 =	vld.idx.msk [tilespmem:v10+s20+$0x0], $0xffff  }
0x107: {  	v53 =	vor.u32 $0x11, v47;
	v55 =	vor.u32 $0x16, v47;
	v57 =	vor.u32 $0x14, v46;
	[tilespmem:s21+$0x1A20] =	vst v7;
	v5 =	vld.idx.msk [tilespmem:v16+s20+$0x0], $0xffff  }
0x108: {  	v56 =	vor.u32 $0x15, v46;
	v61 =	vor.u32 $0x18, v8;
	v62 =	vor.u32 $0x16, v8;
	v4 =	vld.idx.msk [tilespmem:v14+s20+$0x0], $0xffff;
	[tilespmem:s21+$0x1A00] =	vst v0  }
0x109: {  	v63 =	vor.u32 $0x16, v46;
	v19 =	vor.u32 $0x1D, v47;
	v20 =	vor.u32 $0x1C, v46;
	v0 =	vld.idx.msk [tilespmem:v9+s20+$0x0], $0xffff;
	[tilespmem:s21+$0x1C10] =	vst v6  }
0x10a: {  	v18 =	vor.u32 $0x1C, v47;
	v15 =	vor.u32 $0x1E, v46;
	v17 =	vor.u32 $0x1D, v8;
	[tilespmem:s22+$0x30] =	vst v11;
	v3 =	vld.idx.msk [tilespmem:v3+s20+$0x0], $0xffff  }
0x10b: {  	v13 =	vor.u32 $0x1F, v8;
	v16 =	vor.u32 $0x1D, v46;
	v14 =	vor.u32 $0x1E, v8;
	[tilespmem:s22+$0x10] =	vst v2;
	v6 =	vld.idx.msk [tilespmem:v12+s20+$0x0], $0xffff  }
0x10c: {  	s24 =	simm.s32 $0x80;
	s23 =	simm.s32 $0x4;
	v46 =	vor.u32 $0x1F, v46;
	[tilespmem:s22+$0x20] =	vst v10;
	v12 =	vor.u32 $0x1E, v47;
	v47 =	vor.u32 $0x1F, v47;
	v7 =	vld.idx.msk [tilespmem:v21+s20+$0x0], $0xffff  }
.LBB2_3:
0x10d: {  	[tilespmem:$0x1FCB0] =	vst v34  }
0x10e: {  	[tilespmem:$0x1FD20] =	vst v35  }
0x10f: {  	[tilespmem:$0x1FCC0] =	vst v32  }
0x110: {  	[tilespmem:$0x1FD00] =	vst v33  }
0x111: {  	[tilespmem:$0x1FD70] =	vst v31  }
0x112: {  	[tilespmem:$0x1FD60] =	vst v29  }
0x113: {  	[tilespmem:$0x1FDC0] =	vst v30  }
0x114: {  	[tilespmem:$0x1FDD0] =	vst v27  }
0x115: {  	[tilespmem:$0x1FE20] =	vst v28  }
0x116: {  	[tilespmem:$0x1FE10] =	vst v26  }
0x117: {  	[tilespmem:$0x1FE30] =	vst v25  }
0x118: {  	[tilespmem:$0x1FE70] =	vst v18  }
0x119: {  	[tilespmem:$0x1FEA0] =	vst v17  }
0x11a: {  	[tilespmem:$0x1FE90] =	vst v20  }
0x11b: {  	[tilespmem:$0x1FEF0] =	vst v19  }
0x11c: {  	[tilespmem:$0x1FF30] =	vst v14  }
0x11d: {  	[tilespmem:$0x1FFC0] =	vst v13  }
0x11e: {  	[tilespmem:$0x1FF10] =	vst v16  }
0x11f: {  	[tilespmem:$0x1FFA0] =	vst v15  }
0x120: {  	[tilespmem:$0x1FF80] =	vst v12  }
0x121: {  	[tilespmem:s22+$0x0] =	vst v5;
	v12 =	vmov v47  }
0x122: {  	[tilespmem:$0x1FD10] =	vst v12  }
0x123: {  	[tilespmem:s21+$0x1E10] =	vst v3  }
0x124: {  	v5 =	vld.idx.msk [tilespmem:v53+s20+$0x0], $0xffff;
	[tilespmem:s21+$0x1C20] =	vst v4  }
0x125: {  	v2 =	vmov s24;
	s25 =	sadd.s32 $0x10, s24;
	v8 =	vor.u32 $0x12, v60;
	v11 =	vld.idx.msk [tilespmem:v50+s20+$0x0], $0xffff;
	[tilespmem:s21+$0x1C00] =	vst v0  }
0x126: {  	s26 =	sadd.s32 $0x30, s24;
	v9 =	vshll.u32 v2, $0x5;
	v2 =	vmov s25;
	[tilespmem:s22+$0x230] =	vst v6;
	v0 =	vld.idx.msk [tilespmem:v23+s20+$0x0], $0xffff  }
0x127: {  	s31 =	sadd.s32 $0x20, s24;
	v10 =	vmov s26;
	v2 =	vshll.u32 v2, $0x5;
	v3 =	vmov v46;
	[tilespmem:s22+$0x210] =	vst v7;
	v53 =	vld.idx.msk [tilespmem:v24+s20+$0x0], $0xffff  }
0x128: {  	v10 =	vshll.u32 v10, $0x5;
	v4 =	vmov s31;
	v2 =	vor.u32 v22, v2;
	[tilespmem:$0x1FC30] =	vst v3;
	v6 =	vld.idx.msk [tilespmem:v52+s20+$0x0], $0xffff  }
0x129: {  	v50 =	vor.u32 v22, v10;
	v4 =	vshll.u32 v4, $0x5;
	[tilespmem:s22+$0x220] =	vst v5  }
0x12a: {  	v21 =	vor.u32 v22, v4;
	v4 =	vld.idx.msk [tilespmem:v8+s20+$0x0], $0xffff;
	[tilespmem:s22+$0x200] =	vst v11  }
0x12b: {  	v5 =	vld.idx.msk [tilespmem:v49+s20+$0x0], $0xffff;
	[tilespmem:s21+$0x1E20] =	vst v0  }
0x12c: {  	[tilespmem:s21+$0x1E00] =	vst v53  }
0x12d: {  	v47 =	vor.u32 v22, v9;
	v30 =	vld.idx.msk [tilespmem:v2+s20+$0x0], $0xffff;
	v0 =	vor.u32 $0x7, v21;
	[tilespmem:s22+$0x410] =	vst v6  }
0x12e: {  	v54 =	vor.u32 $0x13, v60;
	v28 =	vld.idx.msk [tilespmem:v50+s20+$0x0], $0xffff;
	[tilespmem:$0x1FC20] =	vst v0  }
0x12f: {  	[tilespmem:s22+$0x430] =	vst v4;
	v0 =	vor.u32 $0x8, v2  }
0x130: {  	[tilespmem:$0x1FC40] =	vst v0;
	v0 =	vor.u32 $0x8, v21  }
0x131: {  	v31 =	vld.idx.msk [tilespmem:v21+s20+$0x0], $0xffff;
	[tilespmem:$0x1FC50] =	vst v0;
	v0 =	vor.u32 $0x8, v47  }
0x132: {  	s21 =	smov.u32 s22;
	v59 =	vld.idx.msk [tilespmem:v47+s20+$0x0], $0xffff;
	s22 =	sadd.s32 $0x40, s22;
	[tilespmem:$0x1FC60] =	vst v0  }
0x133: {  	v11 =	vld.idx.msk [tilespmem:v54+s20+$0x0], $0xffff;
	[tilespmem:s22+$0xFFFFE030] =	vst v28  }
0x134: {  	v0 =	vor.u32 $0x9, v2;
	v28 =	vld.idx.msk [tilespmem:v40+s20+$0x0], $0xffff;
	[tilespmem:s22+$0xFFFFE010] =	vst v30  }
0x135: {  	[tilespmem:$0x1FC80] =	vst v0  }
0x136: {  	v58 =	vor.u32 $0x1, v50;
	v0 =	vor.u32 $0x9, v21;
	[tilespmem:s21+$0x420] =	vst v5  }
0x137: {  	v15 =	vor.u32 $0x1, v47;
	v35 =	vld.idx.msk [tilespmem:v44+s20+$0x0], $0xffff;
	[tilespmem:$0x1FC90] =	vst v0  }
0x138: {  	v12 =	vor.u32 $0x1, v2;
	[tilespmem:s22+$0xFFFFE020] =	vst v31  }
0x139: {  	v0 =	vor.u32 $0x9, v47;
	[tilespmem:s22+$0xFFFFE000] =	vst v59  }
0x13a: {  	[tilespmem:$0x1FCA0] =	vst v0  }
0x13b: {  	v22 =	vor.u32 $0x1, v21;
	v30 =	vld.idx.msk [tilespmem:v58+s20+$0x0], $0xffff;
	[tilespmem:s21+$0x630] =	vst v11  }
0x13c: {  	v37 =	vor.u32 $0x14, v60;
	v0 =	vor.u32 $0xA, v2;
	v15 =	vld.idx.msk [tilespmem:v15+s20+$0x0], $0xffff;
	[tilespmem:s21+$0x400] =	vst v35  }
0x13d: {  	v12 =	vld.idx.msk [tilespmem:v12+s20+$0x0], $0xffff;
	[tilespmem:$0x1FCD0] =	vst v0;
	v0 =	vor.u32 $0xA, v47  }
0x13e: {  	[tilespmem:$0x1FCF0] =	vst v0  }
0x13f: {  	v0 =	vor.u32 $0xB, v2;
	[tilespmem:s21+$0x610] =	vst v28  }
0x140: {  	v22 =	vld.idx.msk [tilespmem:v22+s20+$0x0], $0xffff;
	[tilespmem:$0x1FD30] =	vst v0  }
0x141: {  	v11 =	vld.idx.msk [tilespmem:v37+s20+$0x0], $0xffff;
	[tilespmem:s22+$0xFFFFE230] =	vst v30  }
0x142: {  	v0 =	vor.u32 $0xA, v21;
	[tilespmem:s22+$0xFFFFE210] =	vst v12  }
0x143: {  	v31 =	vor.u32 $0x2, v50;
	[tilespmem:$0x1FCE0] =	vst v0;
	v0 =	vor.u32 $0xB, v47  }
0x144: {  	v16 =	vor.u32 $0x2, v2;
	[tilespmem:$0x1FD50] =	vst v0  }
0x145: {  	v27 =	vor.u32 $0x2, v21;
	v28 =	vld.idx.msk [tilespmem:v43+s20+$0x0], $0xffff;
	[tilespmem:s22+$0xFFFFE220] =	vst v22  }
0x146: {  	v30 =	vld.idx.msk [tilespmem:v42+s20+$0x0], $0xffff;
	v0 =	vor.u32 $0xC, v2;
	[tilespmem:s22+$0xFFFFE200] =	vst v15  }
0x147: {  	v23 =	vor.u32 $0x2, v47;
	[tilespmem:$0x1FD90] =	vst v0  }
0x148: {  	v12 =	vld.idx.msk [tilespmem:v31+s20+$0x0], $0xffff;
	v0 =	vor.u32 $0xB, v21;
	[tilespmem:s21+$0x830] =	vst v11  }
0x149: {  	v44 =	vor.u32 $0x15, v60;
	v16 =	vld.idx.msk [tilespmem:v16+s20+$0x0], $0xffff;
	[tilespmem:$0x1FD40] =	vst v0  }
0x14a: {  	v15 =	vld.idx.msk [tilespmem:v27+s20+$0x0], $0xffff;
	v0 =	vor.u32 $0xC, v47;
	[tilespmem:s21+$0x620] =	vst v28  }
0x14b: {  	[tilespmem:$0x1FDB0] =	vst v0  }
0x14c: {  	v23 =	vld.idx.msk [tilespmem:v23+s20+$0x0], $0xffff;
	v0 =	vor.u32 $0xC, v21;
	[tilespmem:s21+$0x600] =	vst v30  }
0x14d: {  	v8 =	vor.u32 $0x3, v2;
	v5 =	vmov v56;
	v56 =	vld.idx.msk [tilespmem:v39+s20+$0x0], $0xffff;
	[tilespmem:$0x1FDA0] =	vst v0  }
0x14e: {  	v51 =	vor.u32 $0x14, v47;
	v54 =	vld.idx.msk [tilespmem:v44+s20+$0x0], $0xffff;
	[tilespmem:s22+$0xFFFFE430] =	vst v12  }
0x14f: {  	v58 =	vld.idx.msk [tilespmem:v1+s20+$0x0], $0xffff;
	v1 =	vmov v51;
	v51 =	vor.u32 $0x1D, v2;
	[tilespmem:s22+$0xFFFFE410] =	vst v16  }
0x150: {  	v0 =	vor.u32 $0xD, v47;
	[tilespmem:$0x1FEB0] =	vst v51  }
0x151: {  	[tilespmem:$0x1FE00] =	vst v0  }
0x152: {  	v22 =	vor.u32 $0x3, v50;
	v0 =	vor.u32 $0xD, v2;
	v52 =	vld.idx.msk [tilespmem:v8+s20+$0x0], $0xffff;
	[tilespmem:s21+$0x810] =	vst v56  }
0x153: {  	[tilespmem:$0x1FDE0] =	vst v0  }
0x154: {  	v7 =	vor.u32 $0x3, v21;
	[tilespmem:s22+$0xFFFFE420] =	vst v15  }
0x155: {  	v0 =	vor.u32 $0xD, v21;
	[tilespmem:s22+$0xFFFFE400] =	vst v23  }
0x156: {  	[tilespmem:$0x1FDF0] =	vst v0  }
0x157: {  	v49 =	vld.idx.msk [tilespmem:v22+s20+$0x0], $0xffff;
	v0 =	vor.u32 $0xE, v47;
	[tilespmem:s21+$0xA30] =	vst v54  }
0x158: {  	[tilespmem:$0x1FE60] =	vst v0  }
0x159: {  	v39 =	vld.idx.msk [tilespmem:v7+s20+$0x0], $0xffff;
	v0 =	vor.u32 $0xE, v2;
	[tilespmem:s21+$0x820] =	vst v58  }
0x15a: {  	[tilespmem:$0x1FE40] =	vst v0;
	v0 =	vor.u32 $0xE, v21  }
0x15b: {  	[tilespmem:$0x1FE50] =	vst v0;
	v0 =	vor.u32 $0xF, v47  }
0x15c: {  	[tilespmem:$0x1FEE0] =	vst v0;
	v0 =	vor.u32 $0xF, v2  }
0x15d: {  	v3 =	vor.u32 $0x3, v47;
	[tilespmem:$0x1FEC0] =	vst v0;
	v0 =	vor.u32 $0xF, v21  }
0x15e: {  	[tilespmem:$0x1FED0] =	vst v0;
	v0 =	vor.u32 $0x10, v2  }
0x15f: {  	[tilespmem:$0x1FF50] =	vst v0;
	v0 =	vor.u32 $0x10, v21  }
0x160: {  	v26 =	vor.u32 $0x4, v47;
	[tilespmem:$0x1FF60] =	vst v0;
	v0 =	vor.u32 $0x10, v47  }
0x161: {  	v46 =	vor.u32 $0x4, v2;
	v20 =	vor.u32 $0x5, v47;
	[tilespmem:$0x1FF70] =	vst v0;
	v0 =	vor.u32 $0x11, v2  }
0x162: {  	v25 =	vor.u32 $0x5, v2;
	v18 =	vor.u32 $0x6, v47;
	v3 =	vld.idx.msk [tilespmem:v3+s20+$0x0], $0xffff;
	[tilespmem:$0x1FFD0] =	vst v0;
	v0 =	vor.u32 $0x11, v21  }
0x163: {  	v13 =	vor.u32 $0x7, v47;
	v9 =	vor.u32 $0x13, v47;
	v56 =	vld.idx.msk [tilespmem:v57+s20+$0x0], $0xffff;
	[tilespmem:$0x1FF40] =	vst v0;
	v0 =	vor.u32 $0x11, v47  }
0x164: {  	v34 =	vor.u32 $0x15, v47;
	v32 =	vor.u32 $0x17, v47;
	[tilespmem:$0x1FD80] =	vst v0;
	v0 =	vor.u32 $0x12, v2  }
0x165: {  	v29 =	vor.u32 $0x4, v21;
	v24 =	vor.u32 $0x5, v21;
	[tilespmem:$0x1FF00] =	vst v0;
	v0 =	vor.u32 $0x12, v21  }
0x166: {  	v17 =	vor.u32 $0x6, v21;
	v59 =	vor.u32 $0x16, v60;
	[tilespmem:$0x1FF20] =	vst v0;
	v0 =	vor.u32 $0x13, v2  }
0x167: {  	v33 =	vor.u32 $0x17, v21;
	v6 =	vor.u32 $0x12, v47;
	v4 =	vor.u32 $0x13, v21;
	[tilespmem:s22+$0xFFFFE600] =	vst v3  }
0x168: {  	v40 =	vor.u32 $0x4, v50;
	v37 =	vor.u32 $0x16, v47;
	v42 =	vmovc v36;
	v27 =	vor.u32 $0x14, v2;
	v26 =	vld.idx.msk [tilespmem:v26+s20+$0x0], $0xffff;
	[tilespmem:s21+$0x800] =	vst v56  }
0x169: {  	v36 =	vor.u32 $0x15, v21;
	v11 =	vor.u32 $0x14, v21;
	v44 =	vmovc v48;
	v48 =	vor.u32 $0x16, v21;
	v56 =	vld [tilespmem:$0x1FFE0];
	[tilespmem:$0x1FFB0] =	vst v0;
	v0 =	vmovc v27  }
0x16a: {  	v30 =	vor.u32 $0x18, v21;
	v12 =	vor.u32 $0x1A, v47;
	v51 =	vld.idx.msk [tilespmem:v45+s20+$0x0], $0xffff;
	[tilespmem:$0x1FF90] =	vst v0;
	v0 =	vor.u32 $0x1C, v21  }
0x16b: {  	v22 =	vor.u32 $0x19, v47;
	v8 =	vor.u32 $0x1B, v21;
	v23 =	vor.u32 $0x19, v21;
	v54 =	vld.idx.msk [tilespmem:v59+s20+$0x0], $0xffff;
	[tilespmem:s22+$0xFFFFE630] =	vst v49  }
0x16c: {  	v15 =	vor.u32 $0x1A, v21;
	v7 =	vor.u32 $0x1B, v47;
	v58 =	vor.u32 $0x1C, v47;
	[tilespmem:s22+$0xFFFFE610] =	vst v52  }
0x16d: {  	v10 =	vmovc v41;
	v49 =	vor.u32 $0x1D, v47;
	v52 =	vor.u32 $0x1D, v21;
	v41 =	vld.idx.msk [tilespmem:v46+s20+$0x0], $0xffff;
	[tilespmem:$0x1FE80] =	vst v0;
	v0 =	vmovc v55;
	v55 =	vor.u32 $0x17, v60  }
0x16e: {  	v57 =	vld.idx.msk [tilespmem:v40+s20+$0x0], $0xffff;
	v40 =	vor.u32 $0x1E, v47;
	v46 =	vor.u32 $0x1F, v47;
	[tilespmem:s22+$0xFFFFE620] =	vst v39;
	v39 =	vor.u32 $0x1E, v21  }
0x16f: {  	[tilespmem:s21+$0xA10] =	vst v51;
	v3 =	vld.idx.msk [tilespmem:v29+s20+$0x0], $0xffff;
	v27 =	vor.u32 $0x18, v47;
	v47 =	vor.u32 $0x1F, v21;
	v21 =	vor.u32 $0x5, v50  }
0x170: {  	[tilespmem:s21+$0xC30] =	vst v54;
	v54 =	vmov v36;
	v36 =	vld.idx.msk [tilespmem:v5+s20+$0x0], $0xffff  }
0x171: {  	[tilespmem:$0x1FFE0] =	vst v54;
	v51 =	vld.idx.msk [tilespmem:v56+s20+$0x0], $0xffff  }
0x172: {  	[tilespmem:s22+$0xFFFFE810] =	vst v41;
	v29 =	vld.idx.msk [tilespmem:v55+s20+$0x0], $0xffff  }
0x173: {  	v54 =	vor.u32 $0x18, v60;
	v25 =	vld.idx.msk [tilespmem:v25+s20+$0x0], $0xffff;
	[tilespmem:s22+$0xFFFFE830] =	vst v57  }
0x174: {  	[tilespmem:s22+$0xFFFFE800] =	vst v26;
	v21 =	vld.idx.msk [tilespmem:v21+s20+$0x0], $0xffff  }
0x175: {  	v19 =	vor.u32 $0x6, v2;
	[tilespmem:s22+$0xFFFFE820] =	vst v3  }
0x176: {  	v3 =	vld.idx.msk [tilespmem:v24+s20+$0x0], $0xffff;
	[tilespmem:s21+$0xA20] =	vst v51  }
0x177: {  	[tilespmem:s21+$0xE30] =	vst v29;
	v29 =	vld.idx.msk [tilespmem:v62+s20+$0x0], $0xffff  }
0x178: {  	[tilespmem:s22+$0xFFFFEA10] =	vst v25;
	v26 =	vld.idx.msk [tilespmem:v54+s20+$0x0], $0xffff  }
0x179: {  	[tilespmem:s22+$0xFFFFEA30] =	vst v21;
	v21 =	vld.idx.msk [tilespmem:v0+s20+$0x0], $0xffff  }
0x17a: {  	[tilespmem:$0x1FC70] =	vst v4;
	v19 =	vld.idx.msk [tilespmem:v19+s20+$0x0], $0xffff  }
0x17b: {  	v14 =	vor.u32 $0x7, v2;
	v20 =	vld.idx.msk [tilespmem:v20+s20+$0x0], $0xffff;
	[tilespmem:s21+$0xA00] =	vst v36  }
0x17c: {  	v4 =	vmov v11;
	[tilespmem:s22+$0xFFFFEA20] =	vst v3  }
0x17d: {  	v24 =	vor.u32 $0x6, v50;
	v57 =	vmov v1;
	v1 =	vmov v4;
	v4 =	vld [tilespmem:$0x1FC40];
	[tilespmem:s21+$0xC10] =	vst v29  }
0x17e: {  	v3 =	vld.idx.msk [tilespmem:v17+s20+$0x0], $0xffff;
	[tilespmem:s21+$0xC20] =	vst v21  }
0x17f: {  	v21 =	vld.idx.msk [tilespmem:v44+s20+$0x0], $0xffff;
	[tilespmem:s22+$0xFFFFEC10] =	vst v19  }
0x180: {  	[tilespmem:s22+$0xFFFFEA00] =	vst v20;
	v51 =	vor.u32 $0x19, v60;
	v14 =	vld.idx.msk [tilespmem:v14+s20+$0x0], $0xffff  }
0x181: {  	v18 =	vld.idx.msk [tilespmem:v18+s20+$0x0], $0xffff  }
0x182: {  	v24 =	vld.idx.msk [tilespmem:v24+s20+$0x0], $0xffff  }
0x183: {  	v25 =	vld.idx.msk [tilespmem:v63+s20+$0x0], $0xffff;
	v17 =	vor.u32 $0x7, v50;
	[tilespmem:s21+$0x1030] =	vst v26  }
0x184: {  	v0 =	vld [tilespmem:$0x1FC20];
	[tilespmem:s21+$0xE10] =	vst v21  }
0x185: {  	v20 =	vld.idx.msk [tilespmem:v51+s20+$0x0], $0xffff;
	[tilespmem:s22+$0xFFFFEE10] =	vst v14  }
0x186: {  	v56 =	vmov v34;
	v34 =	vld.idx.msk [tilespmem:v4+s20+$0x0], $0xffff  }
0x187: {  	[tilespmem:s22+$0xFFFFEC30] =	vst v24;
	v4 =	vld [tilespmem:$0x1FC60]  }
0x188: {  	[tilespmem:s22+$0xFFFFEC00] =	vst v18;
	v24 =	vor.u32 $0x1A, v60;
	v17 =	vld.idx.msk [tilespmem:v17+s20+$0x0], $0xffff  }
0x189: {  	v13 =	vld.idx.msk [tilespmem:v13+s20+$0x0], $0xffff  }
0x18a: {  	[tilespmem:s21+$0xC00] =	vst v25  }
0x18b: {  	[tilespmem:s22+$0xFFFFEC20] =	vst v3  }
0x18c: {  	v0 =	vld.idx.msk [tilespmem:v0+s20+$0x0], $0xffff;
	[tilespmem:s21+$0x1230] =	vst v20  }
0x18d: {  	v18 =	vld.idx.msk [tilespmem:v24+s20+$0x0], $0xffff;
	[tilespmem:s22+$0xFFFFEE30] =	vst v17  }
0x18e: {  	v17 =	vld.idx.msk [tilespmem:v42+s20+$0x0], $0xffff;
	[tilespmem:s22+$0xFFFFEE00] =	vst v13  }
0x18f: {  	v13 =	vld.idx.msk [tilespmem:v4+s20+$0x0], $0xffff  }
0x190: {  	v4 =	vld [tilespmem:$0x1FC80]  }
0x191: {  	v3 =	vor.u32 $0x8, v50  }
0x192: {  	v19 =	vld.idx.msk [tilespmem:v10+s20+$0x0], $0xffff  }
0x193: {  	[tilespmem:s22+$0xFFFFEE20] =	vst v0;
	v0 =	vld [tilespmem:$0x1FC50];
	_ =	sdelay $0x2  }
0x194: {  	v3 =	vld.idx.msk [tilespmem:v3+s20+$0x0], $0xffff;
	[tilespmem:s21+$0xE00] =	vst v17  }
0x195: {  	v17 =	vld.idx.msk [tilespmem:v61+s20+$0x0], $0xffff;
	[tilespmem:s22+$0xFFFFF010] =	vst v34  }
0x196: {  	v44 =	vmov v6;
	v20 =	vor.u32 $0x1B, v60;
	v6 =	vld.idx.msk [tilespmem:v4+s20+$0x0], $0xffff  }
0x197: {  	v4 =	vld [tilespmem:$0x1FCA0]  }
0x198: {  	v43 =	vmov v38  }
0x199: {  	v0 =	vld.idx.msk [tilespmem:v0+s20+$0x0], $0xffff  }
0x19a: {  	[tilespmem:s21+$0x1430] =	vst v18  }
0x19b: {  	v14 =	vld.idx.msk [tilespmem:v20+s20+$0x0], $0xffff;
	[tilespmem:s22+$0xFFFFF030] =	vst v3  }
0x19c: {  	[tilespmem:s21+$0xE20] =	vst v19  }
0x19d: {  	v3 =	vld.idx.msk [tilespmem:v43+s20+$0x0], $0xffff;
	[tilespmem:s22+$0xFFFFF000] =	vst v13  }
0x19e: {  	[tilespmem:s22+$0xFFFFF020] =	vst v0;
	v0 =	vld [tilespmem:$0x1FC90]  }
0x19f: {  	v35 =	vor.u32 $0x16, v2;
	v5 =	vld.idx.msk [tilespmem:v4+s20+$0x0], $0xffff  }
0x1a0: {  	v62 =	vmov v35;
	v35 =	vor.u32 $0x9, v50;
	v4 =	vld [tilespmem:$0x1FCB0];
	_ =	sdelay $0x4  }
0x1a1: {  	v42 =	vmov v9;
	v9 =	vld.idx.msk [tilespmem:v35+s20+$0x0], $0xffff  }
0x1a2: {  	v0 =	vld.idx.msk [tilespmem:v0+s20+$0x0], $0xffff  }
0x1a3: {  	[tilespmem:s21+$0x1020] =	vst v3;
	v3 =	vld [tilespmem:$0x1FCC0]  }
0x1a4: {  	[tilespmem:s21+$0x1630] =	vst v14;
	v14 =	vld.idx.msk [tilespmem:v4+s20+$0x0], $0xffff  }
0x1a5: {  	v4 =	vld [tilespmem:$0x1FCD0];
	_ =	sdelay $0x5  }
0x1a6: {  	[tilespmem:s21+$0x1010] =	vst v17  }
0x1a7: {  	v3 =	vld.idx.msk [tilespmem:v3+s20+$0x0], $0xffff;
	[tilespmem:s22+$0xFFFFF210] =	vst v6  }
0x1a8: {  	v54 =	vld.idx.msk [tilespmem:v4+s20+$0x0], $0xffff  }
0x1a9: {  	v4 =	vld [tilespmem:$0x1FCF0];
	_ =	sdelay $0x4  }
0x1aa: {  	v18 =	vor.u32 $0x1C, v60;
	_ =	sdelay $0x1  }
0x1ab: {  	v63 =	vmov v37;
	v37 =	vor.u32 $0xA, v50;
	[tilespmem:s22+$0xFFFFF200] =	vst v5  }
0x1ac: {  	v17 =	vld.idx.msk [tilespmem:v4+s20+$0x0], $0xffff  }
0x1ad: {  	v4 =	vld [tilespmem:$0x1FD20]  }
0x1ae: {  	v13 =	vld.idx.msk [tilespmem:v18+s20+$0x0], $0xffff  }
0x1af: {  	v51 =	vor.u32 $0x1D, v60;
	[tilespmem:s22+$0xFFFFF230] =	vst v9  }
0x1b0: {  	v6 =	vld.idx.msk [tilespmem:v37+s20+$0x0], $0xffff;
	_ =	sdelay $0x2  }
0x1b1: {  	[tilespmem:s21+$0x1830] =	vst v13  }
0x1b2: {  	v9 =	vld.idx.msk [tilespmem:v51+s20+$0x0], $0xffff;
	[tilespmem:s21+$0x1000] =	vst v14  }
0x1b3: {  	[tilespmem:s22+$0xFFFFF430] =	vst v6;
	v6 =	vld.idx.msk [tilespmem:v4+s20+$0x0], $0xffff  }
0x1b4: {  	v4 =	vld [tilespmem:$0x1FD30];
	_ =	sdelay $0x5  }
0x1b5: {  	[tilespmem:s21+$0x1210] =	vst v3  }
0x1b6: {  	[tilespmem:s22+$0xFFFFF410] =	vst v54  }
0x1b7: {  	v10 =	vld.idx.msk [tilespmem:v4+s20+$0x0], $0xffff  }
0x1b8: {  	v4 =	vld [tilespmem:$0x1FD50];
	_ =	sdelay $0x2  }
0x1b9: {  	[tilespmem:s22+$0xFFFFF220] =	vst v0;
	v0 =	vld [tilespmem:$0x1FCE0];
	_ =	sdelay $0x3  }
0x1ba: {  	v3 =	vld [tilespmem:$0x1FD00];
	[tilespmem:s22+$0xFFFFF400] =	vst v17  }
0x1bb: {  	v17 =	vld.idx.msk [tilespmem:v4+s20+$0x0], $0xffff  }
0x1bc: {  	v4 =	vld [tilespmem:$0x1FD60];
	_ =	sdelay $0x1  }
0x1bd: {  	v0 =	vld.idx.msk [tilespmem:v0+s20+$0x0], $0xffff;
	_ =	sdelay $0x3  }
0x1be: {  	v3 =	vld.idx.msk [tilespmem:v3+s20+$0x0], $0xffff  }
0x1bf: {  	v5 =	vor.u32 $0xB, v50;
	[tilespmem:s22+$0xFFFFF420] =	vst v0;
	v0 =	vld [tilespmem:$0x1FD40]  }
0x1c0: {  	[tilespmem:s21+$0x1200] =	vst v6;
	v6 =	vld.idx.msk [tilespmem:v4+s20+$0x0], $0xffff  }
0x1c1: {  	v4 =	vld [tilespmem:$0x1FD70];
	_ =	sdelay $0x1  }
0x1c2: {  	v13 =	vor.u32 $0x1E, v60  }
0x1c3: {  	v5 =	vld.idx.msk [tilespmem:v5+s20+$0x0], $0xffff;
	_ =	sdelay $0x2  }
0x1c4: {  	[tilespmem:s21+$0x1A30] =	vst v9;
	v0 =	vld.idx.msk [tilespmem:v0+s20+$0x0], $0xffff  }
0x1c5: {  	[tilespmem:s21+$0x1220] =	vst v3;
	v3 =	vld.idx.msk [tilespmem:v13+s20+$0x0], $0xffff  }
0x1c6: {  	[tilespmem:s22+$0xFFFFF630] =	vst v5;
	v5 =	vld.idx.msk [tilespmem:v4+s20+$0x0], $0xffff  }
0x1c7: {  	v4 =	vld [tilespmem:$0x1FD90];
	_ =	sdelay $0x6  }
0x1c8: {  	[tilespmem:s22+$0xFFFFF610] =	vst v10  }
0x1c9: {  	v13 =	vld.idx.msk [tilespmem:v4+s20+$0x0], $0xffff  }
0x1ca: {  	v4 =	vld [tilespmem:$0x1FDB0];
	_ =	sdelay $0x4  }
0x1cb: {  	v31 =	vor.u32 $0x18, v2;
	_ =	sdelay $0x1  }
0x1cc: {  	[tilespmem:s22+$0xFFFFF600] =	vst v17  }
0x1cd: {  	v61 =	vmov v31;
	v31 =	vmov v15;
	v15 =	vld.idx.msk [tilespmem:v4+s20+$0x0], $0xffff  }
0x1ce: {  	v4 =	vld [tilespmem:$0x1FDC0];
	_ =	sdelay $0x6  }
0x1cf: {  	[tilespmem:s22+$0xFFFFF620] =	vst v0;
	v0 =	vld [tilespmem:$0x1FDA0]  }
0x1d0: {  	[tilespmem:s21+$0x1410] =	vst v6;
	v6 =	vld.idx.msk [tilespmem:v4+s20+$0x0], $0xffff  }
0x1d1: {  	v4 =	vld [tilespmem:$0x1FDD0];
	_ =	sdelay $0x6  }
0x1d2: {  	v0 =	vld.idx.msk [tilespmem:v0+s20+$0x0], $0xffff  }
0x1d3: {  	[tilespmem:s21+$0x1420] =	vst v5;
	v5 =	vld.idx.msk [tilespmem:v4+s20+$0x0], $0xffff  }
0x1d4: {  	v4 =	vld [tilespmem:$0x1FDE0];
	_ =	sdelay $0x6  }
0x1d5: {  	[tilespmem:s22+$0xFFFFF810] =	vst v13  }
0x1d6: {  	v51 =	vld.idx.msk [tilespmem:v4+s20+$0x0], $0xffff  }
0x1d7: {  	v14 =	vor.u32 $0xC, v50;
	v4 =	vld [tilespmem:$0x1FE00]  }
0x1d8: {  	v37 =	vor.u32 $0x1F, v60;
	_ =	sdelay $0x3  }
0x1d9: {  	v38 =	vor.u32 $0x17, v2;
	v60 =	vmov v50;
	v54 =	vld.idx.msk [tilespmem:v14+s20+$0x0], $0xffff;
	[tilespmem:s21+$0x1C30] =	vst v3  }
0x1da: {  	v14 =	vor.u32 $0xD, v60;
	v3 =	vld.idx.msk [tilespmem:v37+s20+$0x0], $0xffff;
	[tilespmem:s22+$0xFFFFF820] =	vst v0  }
0x1db: {  	v0 =	vld [tilespmem:$0x1FDF0];
	[tilespmem:s22+$0xFFFFF800] =	vst v15  }
0x1dc: {  	v55 =	vmovc v48;
	v48 =	vmov v38;
	v38 =	vmov v30;
	v30 =	vmov v12;
	v12 =	vld.idx.msk [tilespmem:v4+s20+$0x0], $0xffff  }
0x1dd: {  	v4 =	vld [tilespmem:$0x1FE20]  }
0x1de: {  	[tilespmem:s22+$0xFFFFF830] =	vst v54  }
0x1df: {  	v37 =	vld.idx.msk [tilespmem:v14+s20+$0x0], $0xffff  }
0x1e0: {  	[tilespmem:s21+$0x1E30] =	vst v3;
	v3 =	vld [tilespmem:$0x1FE10];
	_ =	sdelay $0x3  }
0x1e1: {  	v0 =	vld.idx.msk [tilespmem:v0+s20+$0x0], $0xffff;
	[tilespmem:s21+$0x1400] =	vst v6  }
0x1e2: {  	v6 =	vld.idx.msk [tilespmem:v4+s20+$0x0], $0xffff  }
0x1e3: {  	v4 =	vld [tilespmem:$0x1FE30];
	_ =	sdelay $0x1  }
0x1e4: {  	v3 =	vld.idx.msk [tilespmem:v3+s20+$0x0], $0xffff  }
0x1e5: {  	[tilespmem:s22+$0xFFFFFA20] =	vst v0;
	v0 =	vld [tilespmem:$0x1FE50];
	_ =	sdelay $0x3  }
0x1e6: {  	[tilespmem:s21+$0x1610] =	vst v5  }
0x1e7: {  	v5 =	vld.idx.msk [tilespmem:v4+s20+$0x0], $0xffff  }
0x1e8: {  	v4 =	vld [tilespmem:$0x1FE40];
	_ =	sdelay $0x1  }
0x1e9: {  	v0 =	vld.idx.msk [tilespmem:v0+s20+$0x0], $0xffff  }
0x1ea: {  	[tilespmem:s21+$0x1620] =	vst v3;
	v3 =	vld [tilespmem:$0x1FE70];
	_ =	sdelay $0x3  }
0x1eb: {  	[tilespmem:s22+$0xFFFFFA10] =	vst v51  }
0x1ec: {  	v26 =	vmov v8;
	v8 =	vld.idx.msk [tilespmem:v4+s20+$0x0], $0xffff  }
0x1ed: {  	v4 =	vld [tilespmem:$0x1FE60];
	_ =	sdelay $0x1  }
0x1ee: {  	v3 =	vld.idx.msk [tilespmem:v3+s20+$0x0], $0xffff  }
0x1ef: {  	[tilespmem:s22+$0xFFFFFC20] =	vst v0;
	v0 =	vld [tilespmem:$0x1FED0];
	_ =	sdelay $0x3  }
0x1f0: {  	[tilespmem:s22+$0xFFFFFA00] =	vst v12  }
0x1f1: {  	v51 =	vld.idx.msk [tilespmem:v4+s20+$0x0], $0xffff  }
0x1f2: {  	v4 =	vld [tilespmem:$0x1FE80];
	_ =	sdelay $0x1  }
0x1f3: {  	v0 =	vld.idx.msk [tilespmem:v0+s20+$0x0], $0xffff  }
0x1f4: {  	[tilespmem:s21+$0x1820] =	vst v3;
	v3 =	vld [tilespmem:$0x1FEF0];
	_ =	sdelay $0x1  }
0x1f5: {  	v54 =	vor.u32 $0xE, v60;
	v18 =	vmov v4;
	v4 =	vld [tilespmem:$0x1FE90];
	_ =	sdelay $0x1  }
0x1f6: {  	v28 =	vor.u32 $0x19, v2;
	_ =	sdelay $0x1  }
0x1f7: {  	[tilespmem:s22+$0xFFFFFA30] =	vst v37  }
0x1f8: {  	v36 =	vmov v32;
	v32 =	vmov v28;
	v28 =	vmov v7;
	v7 =	vld.idx.msk [tilespmem:v54+s20+$0x0], $0xffff  }
0x1f9: {  	v3 =	vld.idx.msk [tilespmem:v3+s20+$0x0], $0xffff;
	[tilespmem:s22+$0xFFFFFE20] =	vst v0  }
0x1fa: {  	v0 =	vld [tilespmem:$0x1FF60];
	[tilespmem:s21+$0x1600] =	vst v6  }
0x1fb: {  	v6 =	vld.idx.msk [tilespmem:v4+s20+$0x0], $0xffff  }
0x1fc: {  	v4 =	vld [tilespmem:$0x1FEA0];
	_ =	sdelay $0x1  }
0x1fd: {  	v54 =	vld [tilespmem:$0x1FEE0];
	_ =	sdelay $0x1  }
0x1fe: {  	[tilespmem:s22+$0xFFFFFC30] =	vst v7;
	v7 =	vld [tilespmem:$0x1FEC0];
	_ =	sdelay $0x1  }
0x1ff: {  	v20 =	vmov v58;
	v58 =	vld.idx.msk [tilespmem:v0+s20+$0x0], $0xffff  }
0x200: {  	v0 =	vld [tilespmem:$0x1FF70];
	[tilespmem:s21+$0x1810] =	vst v5  }
0x201: {  	v4 =	vld.idx.msk [tilespmem:v4+s20+$0x0], $0xffff  }
0x202: {  	v5 =	vld [tilespmem:$0x1FEB0];
	[tilespmem:s22+$0xFFFFFC00] =	vst v51  }
0x203: {  	v37 =	vor.u32 $0xF, v60;
	v9 =	vld.idx.msk [tilespmem:v54+s20+$0x0], $0xffff;
	[tilespmem:s21+$0x1800] =	vst v6  }
0x204: {  	v6 =	vld [tilespmem:$0x1FF10];
	[tilespmem:s22+$0xFFFFFC10] =	vst v8  }
0x205: {  	v7 =	vld.idx.msk [tilespmem:v7+s20+$0x0], $0xffff  }
0x206: {  	[tilespmem:s21+$0x1A10] =	vst v4;
	v4 =	vld [tilespmem:$0x1FF30]  }
0x207: {  	v16 =	vor.u32 $0x1A, v2  }
0x208: {  	v17 =	vmov v5;
	v5 =	vld.idx.msk [tilespmem:v37+s20+$0x0], $0xffff  }
0x209: {  	v41 =	vmov v33;
	v33 =	vmov v23;
	v23 =	vld [tilespmem:$0x1FD10]  }
0x20a: {  	v29 =	vmov v16;
	v16 =	vmov v49;
	v49 =	vld [tilespmem:$0x1FF20]  }
0x20b: {  	v24 =	vld [tilespmem:$0x1FC30]  }
0x20c: {  	v6 =	vld.idx.msk [tilespmem:v6+s20+$0x0], $0xffff;
	[tilespmem:s22+$0xFFFFFE00] =	vst v9  }
0x20d: {  	[tilespmem:s22+$0xFFFFFE30] =	vst v5;
	v5 =	vld.idx.msk [tilespmem:v0+s20+$0x0], $0xffff  }
0x20e: {  	v10 =	vld.idx.msk [tilespmem:v4+s20+$0x0], $0xffff  }
0x20f: {  	v4 =	vld [tilespmem:$0x1FF50]  }
0x210: {  	v0 =	vld [tilespmem:$0x1FF80]  }
0x211: {  	v35 =	vmov v22;
	v22 =	vld [tilespmem:$0x1FFF0];
	v8 =	vor.u32 $0x10, v60  }
0x212: {  	v53 =	vor.u32 $0x15, v2;
	v11 =	vor.u32 $0x1B, v2;
	v19 =	vmov v52;
	v52 =	vld [tilespmem:$0x1FF00]  }
0x213: {  	v45 =	vmovc v53;
	v53 =	vor.u32 $0x1E, v2;
	v59 =	vor.u32 $0x1C, v2;
	v2 =	vor.u32 $0x1F, v2;
	v43 =	vld [tilespmem:$0x1FC70]  }
0x214: {  	v13 =	vmov v2;
	v2 =	vld [tilespmem:$0x1FFD0]  }
0x215: {  	[tilespmem:s21+$0x1A20] =	vst v3;
	v3 =	vld [tilespmem:$0x1FFC0]  }
0x216: {  	[tilespmem:s22+$0xFFFFFE10] =	vst v7;
	v7 =	vld.idx.msk [tilespmem:v8+s20+$0x0], $0xffff  }
0x217: {  	v8 =	vld.idx.msk [tilespmem:v4+s20+$0x0], $0xffff  }
0x218: {  	v4 =	vld.idx.msk [tilespmem:v0+s20+$0x0], $0xffff  }
0x219: {  	v25 =	vmov v59;
	v59 =	vor.u32 $0x11, v60;
	v0 =	vld [tilespmem:$0x1FFA0]  }
0x21a: {  	v50 =	vld [tilespmem:$0x1FD80]  }
0x21b: {  	s23 =	sadd.s32 $0x4, s23;
	v14 =	vmov v53;
	v53 =	vld [tilespmem:$0x1FF40]  }
0x21c: {  	p1 =	slt.u32 s23, $0x1C;
	v15 =	vmov v40;
	v40 =	vld [tilespmem:$0x1FFB0];
	[tilespmem:s21+$0x1A00] =	vst v6  }
.Ltmp0:
0x21d: {  	v12 =	vmov v39;
	v39 =	vld [tilespmem:$0x1FF90];
	[tilespmem:s22+$0x30] =	vst v7;
	(pc) =	sbr.rel @p1 .LBB2_3-.Ltmp0, $4  }
0x21e: {  	v6 =	vld.idx.msk [tilespmem:v59+s20+$0x0], $0xffff;
	[tilespmem:s21+$0x1C10] =	vst v10  }
0x21f: {  	v3 =	vld.idx.msk [tilespmem:v3+s20+$0x0], $0xffff;
	[tilespmem:s22+$0x10] =	vst v8  }
0x220: {  	v7 =	vld.idx.msk [tilespmem:v2+s20+$0x0], $0xffff  }
0x221: {  	s24 =	sadd.s32 $0x40, s24;
	v34 =	vmov v27;
	v27 =	vmov v11;
	[tilespmem:s22+$0x20] =	vst v58;
	v0 =	vld.idx.msk [tilespmem:v0+s20+$0x0], $0xffff  }
0x222: {  	_ =	sdelay $0x3  }
0x223: {  	v2 =	vor.u32 $0x12, v60;
	[tilespmem:s22+$0x0] =	vst v5;
	v51 =	vld.idx.msk [tilespmem:v53+s20+$0x0], $0xffff  }
0x224: {  	v8 =	vld.idx.msk [tilespmem:v50+s20+$0x0], $0xffff;
	_ =	sdelay $0x1  }
0x225: {  	[tilespmem:s22+$0x210] =	vst v7  }
0x226: {  	[tilespmem:s22+$0x230] =	vst v6;
	v53 =	vld.idx.msk [tilespmem:v52+s20+$0x0], $0xffff  }
0x227: {  	v2 =	vld.idx.msk [tilespmem:v2+s20+$0x0], $0xffff;
	[tilespmem:s22+$0x220] =	vst v51  }
0x228: {  	v54 =	vor.u32 $0x13, v60;
	[tilespmem:s22+$0x200] =	vst v8;
	v58 =	vld.idx.msk [tilespmem:v49+s20+$0x0], $0xffff  }
0x229: {  	v8 =	vld.idx.msk [tilespmem:v44+s20+$0x0], $0xffff;
	_ =	sdelay $0x1  }
0x22a: {  	[tilespmem:s22+$0x410] =	vst v53  }
0x22b: {  	[tilespmem:s22+$0x430] =	vst v2;
	v59 =	vld.idx.msk [tilespmem:v40+s20+$0x0], $0xffff  }
0x22c: {  	v2 =	vld.idx.msk [tilespmem:v54+s20+$0x0], $0xffff;
	[tilespmem:s22+$0x420] =	vst v58  }
0x22d: {  	v37 =	vor.u32 $0x14, v60;
	[tilespmem:s22+$0x400] =	vst v8;
	v7 =	vld.idx.msk [tilespmem:v43+s20+$0x0], $0xffff  }
0x22e: {  	v8 =	vld.idx.msk [tilespmem:v42+s20+$0x0], $0xffff;
	_ =	sdelay $0x1  }
0x22f: {  	[tilespmem:s22+$0x610] =	vst v59  }
0x230: {  	[tilespmem:s22+$0x630] =	vst v2;
	v42 =	vld.idx.msk [tilespmem:v39+s20+$0x0], $0xffff  }
0x231: {  	v2 =	vld.idx.msk [tilespmem:v37+s20+$0x0], $0xffff;
	[tilespmem:s22+$0x620] =	vst v7  }
0x232: {  	[tilespmem:s22+$0x600] =	vst v8;
	v7 =	vld.idx.msk [tilespmem:v1+s20+$0x0], $0xffff  }
0x233: {  	v8 =	vld.idx.msk [tilespmem:v57+s20+$0x0], $0xffff;
	_ =	sdelay $0x1  }
0x234: {  	[tilespmem:s22+$0x810] =	vst v42  }
0x235: {  	[tilespmem:s22+$0x830] =	vst v2  }
0x236: {  	[tilespmem:s22+$0x820] =	vst v7  }
0x237: {  	[tilespmem:s22+$0x800] =	vst v8  }
0x238: {  	v7 =	vld [tilespmem:$0x1FFE0]  }
0x239: {  	v40 =	vor.u32 $0x15, v60;
	_ =	sdelay $0x3  }
0x23a: {  	v6 =	vld.idx.msk [tilespmem:v45+s20+$0x0], $0xffff  }
0x23b: {  	v2 =	vld.idx.msk [tilespmem:v40+s20+$0x0], $0xffff  }
0x23c: {  	v43 =	vor.u32 $0x16, v60;
	v8 =	vld.idx.msk [tilespmem:v56+s20+$0x0], $0xffff  }
0x23d: {  	v7 =	vld.idx.msk [tilespmem:v7+s20+$0x0], $0xffff;
	_ =	sdelay $0x1  }
0x23e: {  	[tilespmem:s22+$0xA10] =	vst v6  }
0x23f: {  	[tilespmem:s22+$0xA30] =	vst v2;
	v6 =	vld.idx.msk [tilespmem:v62+s20+$0x0], $0xffff  }
0x240: {  	v2 =	vld.idx.msk [tilespmem:v43+s20+$0x0], $0xffff;
	[tilespmem:s22+$0xA00] =	vst v8  }
0x241: {  	v44 =	vor.u32 $0x17, v60;
	v8 =	vld.idx.msk [tilespmem:v63+s20+$0x0], $0xffff;
	[tilespmem:s22+$0xA20] =	vst v7  }
0x242: {  	v7 =	vld.idx.msk [tilespmem:v55+s20+$0x0], $0xffff;
	_ =	sdelay $0x1  }
0x243: {  	[tilespmem:s22+$0xC10] =	vst v6  }
0x244: {  	[tilespmem:s22+$0xC30] =	vst v2;
	v6 =	vld.idx.msk [tilespmem:v48+s20+$0x0], $0xffff  }
0x245: {  	v2 =	vld.idx.msk [tilespmem:v44+s20+$0x0], $0xffff;
	[tilespmem:s22+$0xC00] =	vst v8  }
0x246: {  	v45 =	vor.u32 $0x18, v60;
	v8 =	vld.idx.msk [tilespmem:v36+s20+$0x0], $0xffff;
	[tilespmem:s22+$0xC20] =	vst v7  }
0x247: {  	v7 =	vld.idx.msk [tilespmem:v41+s20+$0x0], $0xffff;
	_ =	sdelay $0x1  }
0x248: {  	[tilespmem:s22+$0xE10] =	vst v6  }
0x249: {  	[tilespmem:s22+$0xE30] =	vst v2;
	v6 =	vld.idx.msk [tilespmem:v61+s20+$0x0], $0xffff  }
0x24a: {  	v2 =	vld.idx.msk [tilespmem:v45+s20+$0x0], $0xffff;
	[tilespmem:s22+$0xE00] =	vst v8  }
0x24b: {  	v49 =	vor.u32 $0x19, v60;
	v8 =	vld.idx.msk [tilespmem:v34+s20+$0x0], $0xffff;
	[tilespmem:s22+$0xE20] =	vst v7  }
0x24c: {  	v7 =	vld.idx.msk [tilespmem:v38+s20+$0x0], $0xffff;
	_ =	sdelay $0x1  }
0x24d: {  	[tilespmem:s22+$0x1010] =	vst v6  }
0x24e: {  	[tilespmem:s22+$0x1030] =	vst v2;
	v6 =	vld.idx.msk [tilespmem:v32+s20+$0x0], $0xffff  }
0x24f: {  	v2 =	vld.idx.msk [tilespmem:v49+s20+$0x0], $0xffff;
	[tilespmem:s22+$0x1000] =	vst v8  }
0x250: {  	v50 =	vor.u32 $0x1A, v60;
	v8 =	vld.idx.msk [tilespmem:v35+s20+$0x0], $0xffff;
	[tilespmem:s22+$0x1020] =	vst v7  }
0x251: {  	v7 =	vld.idx.msk [tilespmem:v33+s20+$0x0], $0xffff;
	_ =	sdelay $0x1  }
0x252: {  	[tilespmem:s22+$0x1210] =	vst v6  }
0x253: {  	[tilespmem:s22+$0x1230] =	vst v2;
	v6 =	vld.idx.msk [tilespmem:v29+s20+$0x0], $0xffff  }
0x254: {  	v2 =	vld.idx.msk [tilespmem:v50+s20+$0x0], $0xffff;
	[tilespmem:s22+$0x1200] =	vst v8  }
0x255: {  	v51 =	vor.u32 $0x1B, v60;
	v8 =	vld.idx.msk [tilespmem:v30+s20+$0x0], $0xffff;
	[tilespmem:s22+$0x1220] =	vst v7  }
0x256: {  	v7 =	vld.idx.msk [tilespmem:v31+s20+$0x0], $0xffff;
	_ =	sdelay $0x1  }
0x257: {  	[tilespmem:s22+$0x1410] =	vst v6  }
0x258: {  	[tilespmem:s22+$0x1430] =	vst v2;
	v6 =	vld.idx.msk [tilespmem:v27+s20+$0x0], $0xffff  }
0x259: {  	v2 =	vld.idx.msk [tilespmem:v51+s20+$0x0], $0xffff;
	[tilespmem:s22+$0x1400] =	vst v8  }
0x25a: {  	v52 =	vor.u32 $0x1C, v60;
	v8 =	vld.idx.msk [tilespmem:v28+s20+$0x0], $0xffff;
	[tilespmem:s22+$0x1420] =	vst v7  }
0x25b: {  	v7 =	vld.idx.msk [tilespmem:v26+s20+$0x0], $0xffff;
	_ =	sdelay $0x1  }
0x25c: {  	[tilespmem:s22+$0x1610] =	vst v6  }
0x25d: {  	[tilespmem:s22+$0x1630] =	vst v2;
	v6 =	vld.idx.msk [tilespmem:v25+s20+$0x0], $0xffff  }
0x25e: {  	v2 =	vld.idx.msk [tilespmem:v52+s20+$0x0], $0xffff;
	[tilespmem:s22+$0x1600] =	vst v8  }
0x25f: {  	v53 =	vor.u32 $0x1D, v60;
	v8 =	vld.idx.msk [tilespmem:v20+s20+$0x0], $0xffff;
	[tilespmem:s22+$0x1620] =	vst v7  }
0x260: {  	v7 =	vld.idx.msk [tilespmem:v18+s20+$0x0], $0xffff;
	_ =	sdelay $0x1  }
0x261: {  	[tilespmem:s22+$0x1810] =	vst v6  }
0x262: {  	[tilespmem:s22+$0x1830] =	vst v2;
	v6 =	vld.idx.msk [tilespmem:v17+s20+$0x0], $0xffff  }
0x263: {  	v2 =	vld.idx.msk [tilespmem:v53+s20+$0x0], $0xffff;
	[tilespmem:s22+$0x1800] =	vst v8  }
0x264: {  	v54 =	vor.u32 $0x1E, v60;
	v8 =	vld.idx.msk [tilespmem:v16+s20+$0x0], $0xffff;
	[tilespmem:s22+$0x1820] =	vst v7  }
0x265: {  	v7 =	vld.idx.msk [tilespmem:v19+s20+$0x0], $0xffff  }
0x266: {  	[tilespmem:s21+$0x1C20] =	vst v4  }
0x267: {  	[tilespmem:s22+$0x1A10] =	vst v6  }
0x268: {  	[tilespmem:s22+$0x1A30] =	vst v2;
	v56 =	vld.idx.msk [tilespmem:v14+s20+$0x0], $0xffff  }
0x269: {  	v2 =	vld.idx.msk [tilespmem:v54+s20+$0x0], $0xffff;
	[tilespmem:s22+$0x1A00] =	vst v8  }
0x26a: {  	v55 =	vor.u32 $0x1F, v60;
	v58 =	vld.idx.msk [tilespmem:v15+s20+$0x0], $0xffff;
	[tilespmem:s22+$0x1A20] =	vst v7  }
0x26b: {  	[tilespmem:s21+$0x1C00] =	vst v0;
	v57 =	vld.idx.msk [tilespmem:v12+s20+$0x0], $0xffff  }
0x26c: {  	[tilespmem:s21+$0x1E10] =	vst v3;
	v59 =	vld.idx.msk [tilespmem:v23+s20+$0x0], $0xffff  }
0x26d: {  	v60 =	vld.idx.msk [tilespmem:v24+s20+$0x0], $0xffff;
	[tilespmem:s22+$0x1C10] =	vst v56  }
0x26e: {  	[tilespmem:s22+$0x1C30] =	vst v2;
	v61 =	vld.idx.msk [tilespmem:v13+s20+$0x0], $0xffff  }
0x26f: {  	v1 =	vld.idx.msk [tilespmem:v55+s20+$0x0], $0xffff;
	[tilespmem:s22+$0x1C00] =	vst v58  }
0x270: {  	v63 =	vld.idx.msk [tilespmem:v46+s20+$0x0], $0xffff;
	[tilespmem:s22+$0x1C20] =	vst v57  }
0x271: {  	s31 =	sshll.u32 s18, $0x13;
	s18 =	sadd.s32 $0x1, s18;
	[tilespmem:s21+$0x1E20] =	vst v59;
	v62 =	vld.idx.msk [tilespmem:v47+s20+$0x0], $0xffff  }
0x272: {  	p1 =	sne.s32 s18, $0x32;
	[tilespmem:s21+$0x1E00] =	vst v60  }
.Ltmp1:
0x273: {  	[tilespmem:s22+$0x1E10] =	vst v61;
	(pc) =	sbr.rel @p1 .LBB2_2-.Ltmp1, $4  }
0x274: {  	[tilespmem:s22+$0x1E30] =	vst v1;
	s20 =	sor.u32 s4, s31  }
0x275: {  	[tilespmem:s22+$0x1E00] =	vst v63;
	s20 =	sshrl.u32 s20, $0x3  }
0x276: {  	s19 =	sor.u32 $0x8400, s19;
	p0 =	por !p0, !p0;
	s20 =	sadd.s32 s7, s20;
	[tilespmem:s22+$0x1E20] =	vst v62  }
0x277: {  	[hbm4b:s20+s12] =	stream.strided.scatter [tilespmem:s19], [sflag:$0x3], $0x4000, s16, s12, $0x38;
	[tilespmem:$0x10400] =	vst v63  }
0x278: {  	s17 =	sadd.s32 $0x1, s17  }
0x279: {  	_ =	swait.ge [sflag:s15], $0x4000;
	p0 =	sne.s32 s17, s10  }
.Ltmp2:
0x27a: {  	[sflag:s15] =	ssyncset.done $0x0;
	(pc) =	sbr.rel @p0 .LBB2_1-.Ltmp2, $4  }
0x27b: {  	[sflag:s15] =	ssyncadd.s32 $0xFFFFC000  }
0x27c: {  	_ =	swait.ge [sflag:s15], $0x4000  }
0x27d: {  	[sflag:s15] =	ssyncset.done $0x0  }
0x27e: {  	[sflag:s15] =	ssyncadd.s32 $0xFFFFC000  }
0x27f: {  	_ =	sfence.sel $0x180000  }
0x280: {  	[bflag:$0x0] =	sbarrier.arrive $0xFFFF  }
0x281: {  	p0 =	sne.s32 s1, $0x0;
	_ =	strace $0x90000047  }
0x282: {  	s0 =	sadd.s32 @!p0 $0x100000, s0;
	[bflag:$0x2] =	sbarrier.arrive $0xFFFF  }
0x283: {  	[sflag:s0] =	ssyncadd.tile.s32 @!p0 $0x1;
	_ =	shalt  }
.Lfunc_end2:
_tile_overlayer_lowered:
.L_overlay_start_2:
0x284: {  	(tag) =	ssettag $0x2  }
0x285: {  	s0 =	rddreg [dreg:$0x0];
	s2 =	stileid.u32  }
0x286: {  	s1 =	rddreg [dreg:$0x1];
	p0 =	sne.s32 s2, $0x0  }
0x287: {  	s3 =	rddreg [dreg:$0x2];
	[bflag:$0x3] =	sbarrier.arrive $0xFFFF;
	s2 =	simm.s32 @!p0 $0x1C04  }
0x288: {  	[timem:s3], [sflag:s2] =	dma.local @!p0 [hbm:s0], s1  }
0x289: {  	s0 =	simm.s32 @!p0 $0x4  }
0x28a: {  	_ =	swait.ge @!p0 [sflag:s0], s1  }
0x28b: {  	s1 =	ssub.s32 @!p0 $0x0, s1;
	[sflag:s0] =	ssyncset.done @!p0 $0x0  }
0x28c: {  	[sflag:s0] =	ssyncadd.s32 @!p0 s1  }
0x28d: {  	[bflag:$0x3] =	sbarrier.arrive $0xFFFF  }
0x28e: {  	_ =	shalt  }

</sc_bundles>
